<compile_context>
chip_gen: v7x
topology: tpu7x:2x2x1
jax: 0.10.2.dev20260603
libtpu: 0.0.44.dev20260713+nightly
codegen_flags: <defaults>
</compile_context>

<pallas_src>
import jax
import jax.numpy as jnp
import numpy as np
from jax.experimental import pallas as pl

_MIN_CONF = 0.7
_NMS_THR = 0.3
_MAX_INST = 100
_ACC_CAP = 160
_NEG = float("-inf")


def _prep_kernel(probs_ref, deltas_ref, rois_ref, win_ref,
                 y1_ref, x1_ref, y2_ref, x2_ref, msc_ref, cid_ref):
    probs = probs_ref[0]
    g, lanes, num_c = probs.shape
    maxv = jnp.max(probs, axis=2)
    ci = jax.lax.broadcasted_iota(jnp.int32, (g, lanes, num_c), 2)
    cid = jnp.min(jnp.where(probs == maxv[:, :, None], ci, num_c), axis=2)

    deltas = deltas_ref[0]
    col = jax.lax.broadcasted_iota(jnp.int32, (g, lanes, 4 * num_c), 2)
    csel = (col >> 2) == cid[:, :, None]
    j_of = col & 3
    d = [jnp.sum(jnp.where(csel & (j_of == j), deltas, 0.0), axis=2)
         for j in range(4)]
    dy, dx, dh, dw = d[0] * 0.1, d[1] * 0.1, d[2] * 0.2, d[3] * 0.2

    r = rois_ref[0]
    ry1, rx1, ry2, rx2 = r[:, :, 0], r[:, :, 1], r[:, :, 2], r[:, :, 3]
    height = ry2 - ry1
    width = rx2 - rx1
    cy = ry1 + 0.5 * height + dy * height
    cx = rx1 + 0.5 * width + dx * width
    h = height * jnp.exp(dh)
    w = width * jnp.exp(dw)
    y1 = cy - 0.5 * h
    x1 = cx - 0.5 * w
    y2 = y1 + h
    x2 = x1 + w
    wy1 = win_ref[0, 0, 0]
    wx1 = win_ref[0, 0, 1]
    wy2 = win_ref[0, 0, 2]
    wx2 = win_ref[0, 0, 3]
    y1_ref[0] = jnp.clip(y1, wy1, wy2)
    x1_ref[0] = jnp.clip(x1, wx1, wx2)
    y2_ref[0] = jnp.clip(y2, wy1, wy2)
    x2_ref[0] = jnp.clip(x2, wx1, wx2)
    elig = (cid > 0) & (maxv >= _MIN_CONF)
    msc_ref[0] = jnp.where(elig, maxv, _NEG)
    cid_ref[0] = cid


def _select_kernel(y1_ref, x1_ref, y2_ref, x2_ref, msc_ref, cid_ref, out_ref):
    rows, lanes = y1_ref.shape[1], y1_ref.shape[2]
    n = rows * lanes
    y1 = y1_ref[0]
    x1 = x1_ref[0]
    y2 = y2_ref[0]
    x2 = x2_ref[0]
    msc0 = msc_ref[0]
    cid = cid_ref[0]
    area = (y2 - y1) * (x2 - x1)

    iota_n = (jax.lax.broadcasted_iota(jnp.int32, (rows, lanes), 0) * lanes
              + jax.lax.broadcasted_iota(jnp.int32, (rows, lanes), 1))
    iota_cap = jax.lax.broadcasted_iota(jnp.int32, (1, _ACC_CAP), 1)
    iota_cls = jax.lax.broadcasted_iota(jnp.int32, (1, 128), 1)
    neg = jnp.float32(_NEG)

    def cond(st):
        msc, counts, aS, aY1, aX1, aY2, aX2, aA, aC, aR, nacc = st
        m = jnp.max(msc)
        kth = jnp.sum(jnp.where(iota_cap == _MAX_INST - 1, aS, 0.0))
        return (m > neg) & ((nacc < _MAX_INST)
                            | ((m >= kth) & (nacc < _ACC_CAP)))

    def body(st):
        msc, counts, aS, aY1, aX1, aY2, aX2, aA, aC, aR, nacc = st
        m = jnp.max(msc)
        i = jnp.min(jnp.where(msc == m, iota_n, n))
        pick = iota_n == i
        ci_ = jnp.sum(jnp.where(pick, cid, 0))
        by1 = jnp.sum(jnp.where(pick, y1, 0.0))
        bx1 = jnp.sum(jnp.where(pick, x1, 0.0))
        by2 = jnp.sum(jnp.where(pick, y2, 0.0))
        bx2 = jnp.sum(jnp.where(pick, x2, 0.0))
        ba = jnp.sum(jnp.where(pick, area, 0.0))

        yy1 = jnp.maximum(by1, aY1)
        xx1 = jnp.maximum(bx1, aX1)
        yy2 = jnp.minimum(by2, aY2)
        xx2 = jnp.minimum(bx2, aX2)
        inter = jnp.maximum(0.0, yy2 - yy1) * jnp.maximum(0.0, xx2 - xx1)
        union = ba + aA - inter
        iou = jnp.where(union > 0, inter / jnp.maximum(union, 1e-12), 0.0)
        samecls = (aC == ci_) & (iota_cap < nacc)
        suppressed = jnp.any(samecls & (iou > _NMS_THR))
        cnt_c = jnp.sum(jnp.where(iota_cls == ci_, counts, 0))
        accept = jnp.logical_and(jnp.logical_not(suppressed),
                                 cnt_c < _MAX_INST)

        slotmask = (iota_cap == nacc) & accept
        aS = jnp.where(slotmask, m, aS)
        aY1 = jnp.where(slotmask, by1, aY1)
        aX1 = jnp.where(slotmask, bx1, aX1)
        aY2 = jnp.where(slotmask, by2, aY2)
        aX2 = jnp.where(slotmask, bx2, aX2)
        aA = jnp.where(slotmask, ba, aA)
        aC = jnp.where(slotmask, ci_, aC)
        aR = jnp.where(slotmask, cnt_c, aR)
        counts = jnp.where((iota_cls == ci_) & accept, counts + 1, counts)
        nacc = nacc + accept.astype(jnp.int32)
        msc = jnp.where(pick, neg, msc)
        return (msc, counts, aS, aY1, aX1, aY2, aX2, aA, aC, aR, nacc)

    st0 = (
        msc0,
        jnp.zeros((1, 128), jnp.int32),
        jnp.full((1, _ACC_CAP), _NEG, jnp.float32),
        jnp.zeros((1, _ACC_CAP), jnp.float32),
        jnp.zeros((1, _ACC_CAP), jnp.float32),
        jnp.zeros((1, _ACC_CAP), jnp.float32),
        jnp.zeros((1, _ACC_CAP), jnp.float32),
        jnp.zeros((1, _ACC_CAP), jnp.float32),
        jnp.full((1, _ACC_CAP), -1, jnp.int32),
        jnp.zeros((1, _ACC_CAP), jnp.int32),
        jnp.int32(0),
    )
    st = jax.lax.while_loop(cond, body, st0)
    _, _, aS, aY1, aX1, aY2, aX2, aA, aC, aR, nacc = st

    gr = aC * _MAX_INST + aR
    rowi = jax.lax.broadcasted_iota(jnp.int32, (_MAX_INST, 6), 0)
    colj = jax.lax.broadcasted_iota(jnp.int32, (_MAX_INST, 6), 1)
    bigi = jnp.int32(1 << 30)

    def fbody(t, st2):
        det, avail_i = st2
        avail = avail_i != 0
        mm = jnp.max(jnp.where(avail, aS, neg))
        cand = avail & (aS == mm)
        g = jnp.min(jnp.where(cand, gr, bigi))
        slot = jnp.min(jnp.where(cand & (gr == g), iota_cap, _ACC_CAP))
        pickc = iota_cap == slot
        vy1 = jnp.sum(jnp.where(pickc, aY1, 0.0))
        vx1 = jnp.sum(jnp.where(pickc, aX1, 0.0))
        vy2 = jnp.sum(jnp.where(pickc, aY2, 0.0))
        vx2 = jnp.sum(jnp.where(pickc, aX2, 0.0))
        vc = jnp.sum(jnp.where(pickc, aC, 0)).astype(jnp.float32)
        vs = jnp.sum(jnp.where(pickc, aS, 0.0))
        ok = mm > neg
        rowm = (rowi == t) & ok
        rowvals = jnp.where(colj == 0, vy1,
                   jnp.where(colj == 1, vx1,
                    jnp.where(colj == 2, vy2,
                     jnp.where(colj == 3, vx2,
                      jnp.where(colj == 4, vc, vs)))))
        det = jnp.where(rowm, rowvals, det)
        avail_i = jnp.where(iota_cap != slot, avail_i, 0)
        return det, avail_i

    det0 = jnp.zeros((_MAX_INST, 6), jnp.float32)
    avail0 = (iota_cap < nacc).astype(jnp.int32)
    det, _ = jax.lax.fori_loop(0, _MAX_INST, fbody, (det0, avail0))
    out_ref[0] = det


def kernel(rois, mrcnn_class, mrcnn_bbox, image_meta):
    B, N, C = mrcnn_class.shape
    shift = jnp.asarray(np.array([0.0, 0.0, 1.0, 1.0], dtype=np.float32))
    image_shape = image_meta[0, 4:7]
    scale = jnp.concatenate([image_shape[:2], image_shape[:2]]) - 1.0
    windows = ((image_meta[:, 7:11] - shift) / scale).reshape(B, 1, 4)

    G = 16
    TB = G * 128
    T = -(-N // TB)
    n_pad = T * TB
    pad = n_pad - N
    rows = T * G

    probs_p = jnp.pad(mrcnn_class, ((0, 0), (0, pad), (0, 0))) \
        .reshape(B, rows, 128, C)
    deltas_p = jnp.pad(mrcnn_bbox.reshape(B, N, 4 * C),
                       ((0, 0), (0, pad), (0, 0))).reshape(B, rows, 128, 4 * C)
    rois_p = jnp.pad(rois, ((0, 0), (0, pad), (0, 0))) \
        .reshape(B, rows, 128, 4)

    outs = pl.pallas_call(
        _prep_kernel,
        grid=(B, T),
        in_specs=[
            pl.BlockSpec((1, G, 128, C), lambda b, t: (b, t, 0, 0)),
            pl.BlockSpec((1, G, 128, 4 * C), lambda b, t: (b, t, 0, 0)),
            pl.BlockSpec((1, G, 128, 4), lambda b, t: (b, t, 0, 0)),
            pl.BlockSpec((1, 1, 4), lambda b, t: (b, 0, 0)),
        ],
        out_specs=[
            pl.BlockSpec((1, G, 128), lambda b, t: (b, t, 0)),
            pl.BlockSpec((1, G, 128), lambda b, t: (b, t, 0)),
            pl.BlockSpec((1, G, 128), lambda b, t: (b, t, 0)),
            pl.BlockSpec((1, G, 128), lambda b, t: (b, t, 0)),
            pl.BlockSpec((1, G, 128), lambda b, t: (b, t, 0)),
            pl.BlockSpec((1, G, 128), lambda b, t: (b, t, 0)),
        ],
        out_shape=[
            jax.ShapeDtypeStruct((B, rows, 128), jnp.float32),
            jax.ShapeDtypeStruct((B, rows, 128), jnp.float32),
            jax.ShapeDtypeStruct((B, rows, 128), jnp.float32),
            jax.ShapeDtypeStruct((B, rows, 128), jnp.float32),
            jax.ShapeDtypeStruct((B, rows, 128), jnp.float32),
            jax.ShapeDtypeStruct((B, rows, 128), jnp.int32),
        ],
    )(probs_p, deltas_p, rois_p, windows)
    y1, x1, y2, x2, msc, cid = outs

    det = pl.pallas_call(
        _select_kernel,
        grid=(B,),
        in_specs=[
            pl.BlockSpec((1, rows, 128), lambda b: (b, 0, 0)),
            pl.BlockSpec((1, rows, 128), lambda b: (b, 0, 0)),
            pl.BlockSpec((1, rows, 128), lambda b: (b, 0, 0)),
            pl.BlockSpec((1, rows, 128), lambda b: (b, 0, 0)),
            pl.BlockSpec((1, rows, 128), lambda b: (b, 0, 0)),
            pl.BlockSpec((1, rows, 128), lambda b: (b, 0, 0)),
        ],
        out_specs=pl.BlockSpec((1, _MAX_INST, 6), lambda b: (b, 0, 0)),
        out_shape=jax.ShapeDtypeStruct((B, _MAX_INST, 6), jnp.float32),
    )(y1, x1, y2, x2, msc, cid)
    return det

# --- scband reference (transcript-rebuilt; emitter-appended) ---
"""Pipeline reference for scband-detection-layer-43104291782862 (READ-ONLY COPY).

The authoritative reference and input builder live on the scoring server;
editing this copy changes nothing except your own understanding.
"""

import jax, jax.numpy as jnp
import numpy as np

BBOX_STD_DEV = np.array([0.1, 0.1, 0.2, 0.2], dtype=np.float32)
DETECTION_MIN_CONFIDENCE = 0.7
DETECTION_NMS_THRESHOLD = 0.3
DETECTION_MAX_INSTANCES = 100

def _apply_deltas_np(boxes, deltas):
    height = boxes[:, 2] - boxes[:, 0]
    width = boxes[:, 3] - boxes[:, 1]
    cy = boxes[:, 0] + 0.5 * height + deltas[:, 0] * height
    cx = boxes[:, 1] + 0.5 * width + deltas[:, 1] * width
    h = height * np.exp(deltas[:, 2])
    w = width * np.exp(deltas[:, 3])
    y1 = cy - 0.5 * h
    x1 = cx - 0.5 * w
    return np.stack([y1, x1, y1 + h, x1 + w], axis=1)

def _clip_np(boxes, window):
    wy1, wx1, wy2, wx2 = [float(window[j]) for j in range(4)]
    y1 = np.clip(boxes[:, 0], wy1, wy2)
    x1 = np.clip(boxes[:, 1], wx1, wx2)
    y2 = np.clip(boxes[:, 2], wy1, wy2)
    x2 = np.clip(boxes[:, 3], wx1, wx2)
    return np.stack([y1, x1, y2, x2], axis=1)

def _nms_np(boxes, scores, max_out, iou_thr):
    order = np.argsort(-scores, kind='stable')
    areas = (boxes[:, 2] - boxes[:, 0]) * (boxes[:, 3] - boxes[:, 1])
    keep = []
    while order.size > 0 and len(keep) < max_out:
        i = order[0]
        keep.append(i)
        rest = order[1:]
        yy1 = np.maximum(boxes[i, 0], boxes[rest, 0])
        xx1 = np.maximum(boxes[i, 1], boxes[rest, 1])
        yy2 = np.minimum(boxes[i, 2], boxes[rest, 2])
        xx2 = np.minimum(boxes[i, 3], boxes[rest, 3])
        inter = np.maximum(0.0, yy2 - yy1) * np.maximum(0.0, xx2 - xx1)
        union = areas[i] + areas[rest] - inter
        iou = np.where(union > 0, inter / np.maximum(union, 1e-12), 0.0)
        order = rest[iou <= iou_thr]
    return np.array(keep, dtype=np.int64)

def _refine_indices_np(rois, probs, deltas, window):
    n = rois.shape[0]
    class_ids = np.argmax(probs, axis=1)
    scores = probs[np.arange(n), class_ids]
    d = deltas[np.arange(n), class_ids] * BBOX_STD_DEV
    refined = _clip_np(_apply_deltas_np(rois, d), window)
    keep = np.where((class_ids > 0) & (scores >= DETECTION_MIN_CONFIDENCE))[0]
    nms_keep = []
    for cid in np.unique(class_ids[keep]):
        ixs = keep[class_ids[keep] == cid]
        k = _nms_np(refined[ixs], scores[ixs], DETECTION_MAX_INSTANCES, DETECTION_NMS_THRESHOLD)
        nms_keep.append(ixs[k])
    nms_keep = np.concatenate(nms_keep) if len(nms_keep) > 0 else np.zeros((0,), dtype=np.int64)
    top = np.argsort(-scores[nms_keep], kind='stable')[:DETECTION_MAX_INSTANCES]
    return nms_keep[top].astype(np.int64), class_ids

def _detections_jnp(rois, probs, deltas, window, keep, class_ids):
    n = int(keep.shape[0])
    if n == 0:
        return jnp.zeros((DETECTION_MAX_INSTANCES, 6), dtype=jnp.float32)
    keep_j = jnp.asarray(keep)
    cls_np = np.asarray(class_ids)[np.asarray(keep)]
    cls_j = jnp.asarray(cls_np)
    r = rois[keep_j]
    sc = probs[keep_j, cls_j]
    d = deltas[keep_j, cls_j] * jnp.asarray(BBOX_STD_DEV)
    height = r[:, 2] - r[:, 0]
    width = r[:, 3] - r[:, 1]
    cy = r[:, 0] + 0.5 * height + d[:, 0] * height
    cx = r[:, 1] + 0.5 * width + d[:, 1] * width
    h = height * jnp.exp(d[:, 2])
    w = width * jnp.exp(d[:, 3])
    y1 = cy - 0.5 * h
    x1 = cx - 0.5 * w
    y2 = y1 + h
    x2 = x1 + w
    y1 = jnp.clip(y1, window[0], window[2])
    x1 = jnp.clip(x1, window[1], window[3])
    y2 = jnp.clip(y2, window[0], window[2])
    x2 = jnp.clip(x2, window[1], window[3])
    refined = jnp.stack([y1, x1, y2, x2], axis=1)
    det = jnp.concatenate([refined, cls_j.astype(jnp.float32)[:, None], sc[:, None]], axis=1)
    return jnp.pad(det, ((0, DETECTION_MAX_INSTANCES - n), (0, 0)))

def _nms_ranks_jnp(refined, scores, areas, valid_init):
    n = refined.shape[0]

    def body(t, state):
        valid, ranks = state
        any_valid = jnp.any(valid)
        masked = jnp.where(valid, scores, -jnp.inf)
        i = jnp.argmax(masked)
        b = refined[i]
        yy1 = jnp.maximum(b[0], refined[:, 0])
        xx1 = jnp.maximum(b[1], refined[:, 1])
        yy2 = jnp.minimum(b[2], refined[:, 2])
        xx2 = jnp.minimum(b[3], refined[:, 3])
        inter = jnp.maximum(0.0, yy2 - yy1) * jnp.maximum(0.0, xx2 - xx1)
        union = areas[i] + areas - inter
        iou = jnp.where(union > 0, inter / jnp.maximum(union, 1e-12), 0.0)
        new_valid = valid & (iou <= DETECTION_NMS_THRESHOLD)
        new_valid = new_valid.at[i].set(False)
        new_ranks = ranks.at[i].set(t)
        valid = jnp.where(any_valid, new_valid, valid)
        ranks = jnp.where(any_valid, new_ranks, ranks)
        return valid, ranks

    ranks0 = jnp.full((n,), -1, dtype=jnp.int32)
    _, ranks = jax.lax.fori_loop(0, DETECTION_MAX_INSTANCES, body, (valid_init, ranks0))
    return ranks

def _refine_detections_jnp(rois, probs, deltas, window):
    n = rois.shape[0]
    num_classes = probs.shape[1]
    class_ids = jnp.argmax(probs, axis=1)
    idx_n = jnp.arange(n)
    scores = probs[idx_n, class_ids]
    d = deltas[idx_n, class_ids] * jnp.asarray(BBOX_STD_DEV)
    height = rois[:, 2] - rois[:, 0]
    width = rois[:, 3] - rois[:, 1]
    cy = rois[:, 0] + 0.5 * height + d[:, 0] * height
    cx = rois[:, 1] + 0.5 * width + d[:, 1] * width
    h = height * jnp.exp(d[:, 2])
    w = width * jnp.exp(d[:, 3])
    y1 = cy - 0.5 * h
    x1 = cx - 0.5 * w
    y2 = y1 + h
    x2 = x1 + w
    y1 = jnp.clip(y1, window[0], window[2])
    x1 = jnp.clip(x1, window[1], window[3])
    y2 = jnp.clip(y2, window[0], window[2])
    x2 = jnp.clip(x2, window[1], window[3])
    refined = jnp.stack([y1, x1, y2, x2], axis=1)
    areas = (refined[:, 2] - refined[:, 0]) * (refined[:, 3] - refined[:, 1])
    eligible = (class_ids > 0) & (scores >= DETECTION_MIN_CONFIDENCE)
    cls_range = jnp.arange(1, num_classes)
    ranks_per_class = jax.vmap(
        lambda c: _nms_ranks_jnp(refined, scores, areas, eligible & (class_ids == c))
    )(cls_range)
    t_rank = jnp.max(ranks_per_class, axis=0)
    selected = t_rank >= 0
    global_rank = class_ids.astype(jnp.int32) * DETECTION_MAX_INSTANCES + t_rank
    primary = jnp.where(selected, -scores, jnp.inf)
    order = jnp.lexsort((global_rank, primary))
    top = order[:DETECTION_MAX_INSTANCES]
    valid = selected[top]
    det = jnp.concatenate(
        [refined[top], class_ids[top].astype(jnp.float32)[:, None], scores[top][:, None]],
        axis=1,
    )
    return jnp.where(valid[:, None], det, 0.0)

def setup_inputs(seed: int = 0) -> dict:
    key = jax.random.key(seed)
    B, N, C = 2, 20000, 81
    k1, k2, k3, k4 = jax.random.split(key, 4)
    yx = jax.random.uniform(k1, (B, N, 2), dtype=jnp.float32, maxval=0.7)
    hw = jax.random.uniform(k2, (B, N, 2), dtype=jnp.float32, minval=0.05, maxval=0.3)
    rois = jnp.concatenate([yx, yx + hw], axis=-1)
    mrcnn_class = jax.random.uniform(k3, (B, N, C), dtype=jnp.float32)
    mrcnn_bbox = jax.random.normal(k4, (B, N, C, 4), dtype=jnp.float32)
    meta = np.zeros((B, 12 + C), dtype=np.float32)
    meta[:, 1:4] = [1024.0, 1024.0, 3.0]
    meta[:, 4:7] = [1024.0, 1024.0, 3.0]
    meta[:, 7:11] = [0.0, 0.0, 1024.0, 1024.0]
    meta[:, 11] = 1.0
    meta[:, 12:] = 1.0
    return {'rois': rois, 'mrcnn_class': mrcnn_class, 'mrcnn_bbox': mrcnn_bbox, 'image_meta': jnp.asarray(meta)}

def reference(rois, mrcnn_class, mrcnn_bbox, image_meta):
    B = rois.shape[0]
    shift = jnp.asarray(np.array([0.0, 0.0, 1.0, 1.0], dtype=np.float32))
    image_shape_j = image_meta[0, 4:7]
    scale_j = jnp.concatenate([image_shape_j[:2], image_shape_j[:2]]) - 1.0
    windows_j = (image_meta[:, 7:11] - shift) / scale_j
    dets = []
    for i in range(B):
        dets.append(_refine_detections_jnp(rois[i], mrcnn_class[i], mrcnn_bbox[i], windows_j[i]))
    return jnp.stack(dets, axis=0)

if __name__ == "__main__":
    import jax
    _d = setup_inputs()
    print(jax.jit(kernel)(*tuple(_d.values())))

</pallas_src>

<mosaic_0001>
module attributes {stable_mosaic.version = 14 : i64} {
  func.func @_prep_kernel(%arg0: i32, %arg1: i32, %arg2: memref<1x16x128x81xf32, #tpu.memory_space<vmem>>, %arg3: memref<1x16x128x324xf32, #tpu.memory_space<vmem>>, %arg4: memref<1x16x128x4xf32, #tpu.memory_space<vmem>>, %arg5: memref<1x1x4xf32, #tpu.memory_space<vmem>>, %arg6: memref<1x16x128xf32, #tpu.memory_space<vmem>>, %arg7: memref<1x16x128xf32, #tpu.memory_space<vmem>>, %arg8: memref<1x16x128xf32, #tpu.memory_space<vmem>>, %arg9: memref<1x16x128xf32, #tpu.memory_space<vmem>>, %arg10: memref<1x16x128xf32, #tpu.memory_space<vmem>>, %arg11: memref<1x16x128xi32, #tpu.memory_space<vmem>>) attributes {dimension_semantics = [#tpu.dimension_semantics<arbitrary>, #tpu.dimension_semantics<arbitrary>], iteration_bounds = array<i64: 2, 10>, scalar_prefetch = 0 : i64, scratch_operands = 0 : i64, tpu.core_type = #tpu.core_type<tc>, window_params = [{transform_indices = @transform_0, window_bounds = array<i64: 1, 16, 128, 81>}, {transform_indices = @transform_1, window_bounds = array<i64: 1, 16, 128, 324>}, {transform_indices = @transform_2, window_bounds = array<i64: 1, 16, 128, 4>}, {transform_indices = @transform_3, window_bounds = array<i64: 1, 1, 4>}, {transform_indices = @transform_4, window_bounds = array<i64: 1, 16, 128>}, {transform_indices = @transform_5, window_bounds = array<i64: 1, 16, 128>}, {transform_indices = @transform_6, window_bounds = array<i64: 1, 16, 128>}, {transform_indices = @transform_7, window_bounds = array<i64: 1, 16, 128>}, {transform_indices = @transform_8, window_bounds = array<i64: 1, 16, 128>}, {transform_indices = @transform_9, window_bounds = array<i64: 1, 16, 128>}]} {
    %get3A = arith.constant 0 : index
    %get3A_0 = arith.constant 0 : index
    %get3A_1 = arith.constant 0 : index
    %get3A_2 = arith.constant 0 : index
    %get3A_3 = vector.load %arg2[%get3A, %get3A_0, %get3A_1, %get3A_2] : memref<1x16x128x81xf32, #tpu.memory_space<vmem>>, vector<1x16x128x81xf32>
    %get3A_4 = vector.shape_cast %get3A_3 : vector<1x16x128x81xf32> to vector<16x128x81xf32>
    %reduce_max3A = arith.constant dense<0xFF800000> : vector<16x128xf32>
    %reduce_max3A_5 = vector.multi_reduction <maximumf>, %get3A_4, %reduce_max3A [2] : vector<16x128x81xf32> to vector<16x128xf32>
    %iota3A = tpu.iota {dimensions = array<i32: 2>} : vector<16x128x81xi32>
    %broadcast_in_dim3A = vector.shape_cast %reduce_max3A_5 : vector<16x128xf32> to vector<16x128x1xf32>
    %eq3A = vector.broadcast %broadcast_in_dim3A : vector<16x128x1xf32> to vector<16x128x81xf32>
    %eq3A_6 = arith.cmpf oeq, %get3A_4, %eq3A : vector<16x128x81xf32>
    %jit3A = arith.constant 81 : i32
    %broadcast_in_dim3A_7 = vector.broadcast %jit3A : i32 to vector<16x128x81xi32>
    %select_n3A = arith.select %eq3A_6, %iota3A, %broadcast_in_dim3A_7 : vector<16x128x81xi1>, vector<16x128x81xi32>
    %reduce_min3A = arith.constant dense<2147483647> : vector<16x128xi32>
    %reduce_min3A_8 = vector.multi_reduction <minsi>, %select_n3A, %reduce_min3A [2] : vector<16x128x81xi32> to vector<16x128xi32>
    %get3A_9 = arith.constant 0 : index
    %get3A_10 = arith.constant 0 : index
    %get3A_11 = arith.constant 0 : index
    %get3A_12 = arith.constant 0 : index
    %get3A_13 = vector.load %arg3[%get3A_9, %get3A_10, %get3A_11, %get3A_12] : memref<1x16x128x324xf32, #tpu.memory_space<vmem>>, vector<1x16x128x324xf32>
    %get3A_14 = vector.shape_cast %get3A_13 : vector<1x16x128x324xf32> to vector<16x128x324xf32>
    %iota3A_15 = tpu.iota {dimensions = array<i32: 2>} : vector<16x128x324xi32>
    %shift_right_arithmetic3A = arith.constant 2 : i32
    %shift_right_arithmetic3A_16 = vector.broadcast %shift_right_arithmetic3A : i32 to vector<16x128x324xi32>
    %shift_right_arithmetic3A_17 = arith.shrsi %iota3A_15, %shift_right_arithmetic3A_16 : vector<16x128x324xi32>
    %broadcast_in_dim3A_18 = vector.shape_cast %reduce_min3A_8 : vector<16x128xi32> to vector<16x128x1xi32>
    %eq3A_19 = vector.broadcast %broadcast_in_dim3A_18 : vector<16x128x1xi32> to vector<16x128x324xi32>
    %eq3A_20 = arith.cmpi eq, %shift_right_arithmetic3A_17, %eq3A_19 : vector<16x128x324xi32>
    %and3A = arith.constant 3 : i32
    %and3A_21 = vector.broadcast %and3A : i32 to vector<16x128x324xi32>
    %and3A_22 = arith.andi %iota3A_15, %and3A_21 : vector<16x128x324xi32>
    %eq3A_23 = arith.constant 0 : i32
    %eq3A_24 = vector.broadcast %eq3A_23 : i32 to vector<16x128x324xi32>
    %eq3A_25 = arith.cmpi eq, %and3A_22, %eq3A_24 : vector<16x128x324xi32>
    %and3A_26 = arith.andi %eq3A_20, %eq3A_25 : vector<16x128x324xi1>
    %jit3A_27 = arith.constant 0.000000e+00 : f32
    %broadcast_in_dim3A_28 = vector.broadcast %jit3A_27 : f32 to vector<16x128x324xf32>
    %select_n3A_29 = arith.select %and3A_26, %get3A_14, %broadcast_in_dim3A_28 : vector<16x128x324xi1>, vector<16x128x324xf32>
    %reduce_sum3A = arith.constant dense<0.000000e+00> : vector<16x128xf32>
    %reduce_sum3A_30 = vector.multi_reduction <add>, %select_n3A_29, %reduce_sum3A [2] : vector<16x128x324xf32> to vector<16x128xf32>
    %eq3A_31 = arith.constant 1 : i32
    %eq3A_32 = vector.broadcast %eq3A_31 : i32 to vector<16x128x324xi32>
    %eq3A_33 = arith.cmpi eq, %and3A_22, %eq3A_32 : vector<16x128x324xi32>
    %and3A_34 = arith.andi %eq3A_20, %eq3A_33 : vector<16x128x324xi1>
    %jit3A_35 = arith.constant 0.000000e+00 : f32
    %broadcast_in_dim3A_36 = vector.broadcast %jit3A_35 : f32 to vector<16x128x324xf32>
    %select_n3A_37 = arith.select %and3A_34, %get3A_14, %broadcast_in_dim3A_36 : vector<16x128x324xi1>, vector<16x128x324xf32>
    %reduce_sum3A_38 = arith.constant dense<0.000000e+00> : vector<16x128xf32>
    %reduce_sum3A_39 = vector.multi_reduction <add>, %select_n3A_37, %reduce_sum3A_38 [2] : vector<16x128x324xf32> to vector<16x128xf32>
    %eq3A_40 = arith.constant 2 : i32
    %eq3A_41 = vector.broadcast %eq3A_40 : i32 to vector<16x128x324xi32>
    %eq3A_42 = arith.cmpi eq, %and3A_22, %eq3A_41 : vector<16x128x324xi32>
    %and3A_43 = arith.andi %eq3A_20, %eq3A_42 : vector<16x128x324xi1>
    %jit3A_44 = arith.constant 0.000000e+00 : f32
    %broadcast_in_dim3A_45 = vector.broadcast %jit3A_44 : f32 to vector<16x128x324xf32>
    %select_n3A_46 = arith.select %and3A_43, %get3A_14, %broadcast_in_dim3A_45 : vector<16x128x324xi1>, vector<16x128x324xf32>
    %reduce_sum3A_47 = arith.constant dense<0.000000e+00> : vector<16x128xf32>
    %reduce_sum3A_48 = vector.multi_reduction <add>, %select_n3A_46, %reduce_sum3A_47 [2] : vector<16x128x324xf32> to vector<16x128xf32>
    %eq3A_49 = arith.constant 3 : i32
    %eq3A_50 = vector.broadcast %eq3A_49 : i32 to vector<16x128x324xi32>
    %eq3A_51 = arith.cmpi eq, %and3A_22, %eq3A_50 : vector<16x128x324xi32>
    %and3A_52 = arith.andi %eq3A_20, %eq3A_51 : vector<16x128x324xi1>
    %jit3A_53 = arith.constant 0.000000e+00 : f32
    %broadcast_in_dim3A_54 = vector.broadcast %jit3A_53 : f32 to vector<16x128x324xf32>
    %select_n3A_55 = arith.select %and3A_52, %get3A_14, %broadcast_in_dim3A_54 : vector<16x128x324xi1>, vector<16x128x324xf32>
    %reduce_sum3A_56 = arith.constant dense<0.000000e+00> : vector<16x128xf32>
    %reduce_sum3A_57 = vector.multi_reduction <add>, %select_n3A_55, %reduce_sum3A_56 [2] : vector<16x128x324xf32> to vector<16x128xf32>
    %mul3A = arith.constant 1.000000e-01 : f32
    %mul3A_58 = vector.broadcast %mul3A : f32 to vector<16x128xf32>
    %mul3A_59 = arith.mulf %reduce_sum3A_30, %mul3A_58 : vector<16x128xf32>
    %mul3A_60 = arith.constant 1.000000e-01 : f32
    %mul3A_61 = vector.broadcast %mul3A_60 : f32 to vector<16x128xf32>
    %mul3A_62 = arith.mulf %reduce_sum3A_39, %mul3A_61 : vector<16x128xf32>
    %mul3A_63 = arith.constant 2.000000e-01 : f32
    %mul3A_64 = vector.broadcast %mul3A_63 : f32 to vector<16x128xf32>
    %mul3A_65 = arith.mulf %reduce_sum3A_48, %mul3A_64 : vector<16x128xf32>
    %mul3A_66 = arith.constant 2.000000e-01 : f32
    %mul3A_67 = vector.broadcast %mul3A_66 : f32 to vector<16x128xf32>
    %mul3A_68 = arith.mulf %reduce_sum3A_57, %mul3A_67 : vector<16x128xf32>
    %get3A_69 = arith.constant 0 : index
    %get3A_70 = arith.constant 0 : index
    %get3A_71 = arith.constant 0 : index
    %get3A_72 = arith.constant 0 : index
    %get3A_73 = vector.load %arg4[%get3A_69, %get3A_70, %get3A_71, %get3A_72] : memref<1x16x128x4xf32, #tpu.memory_space<vmem>>, vector<1x16x128x4xf32>
    %get3A_74 = vector.shape_cast %get3A_73 : vector<1x16x128x4xf32> to vector<16x128x4xf32>
    %slice3A = vector.extract_strided_slice %get3A_74 {offsets = [0, 0, 0], sizes = [16, 128, 1], strides = [1, 1, 1]} : vector<16x128x4xf32> to vector<16x128x1xf32>
    %squeeze3A = vector.shape_cast %slice3A : vector<16x128x1xf32> to vector<16x128xf32>
    %slice3A_75 = vector.extract_strided_slice %get3A_74 {offsets = [0, 0, 1], sizes = [16, 128, 1], strides = [1, 1, 1]} : vector<16x128x4xf32> to vector<16x128x1xf32>
    %squeeze3A_76 = vector.shape_cast %slice3A_75 : vector<16x128x1xf32> to vector<16x128xf32>
    %slice3A_77 = vector.extract_strided_slice %get3A_74 {offsets = [0, 0, 2], sizes = [16, 128, 1], strides = [1, 1, 1]} : vector<16x128x4xf32> to vector<16x128x1xf32>
    %squeeze3A_78 = vector.shape_cast %slice3A_77 : vector<16x128x1xf32> to vector<16x128xf32>
    %slice3A_79 = vector.extract_strided_slice %get3A_74 {offsets = [0, 0, 3], sizes = [16, 128, 1], strides = [1, 1, 1]} : vector<16x128x4xf32> to vector<16x128x1xf32>
    %squeeze3A_80 = vector.shape_cast %slice3A_79 : vector<16x128x1xf32> to vector<16x128xf32>
    %sub3A = arith.subf %squeeze3A_78, %squeeze3A : vector<16x128xf32>
    %sub3A_81 = arith.subf %squeeze3A_80, %squeeze3A_76 : vector<16x128xf32>
    %mul3A_82 = arith.constant 5.000000e-01 : f32
    %mul3A_83 = vector.broadcast %mul3A_82 : f32 to vector<16x128xf32>
    %mul3A_84 = arith.mulf %mul3A_83, %sub3A : vector<16x128xf32>
    %add3A = arith.addf %squeeze3A, %mul3A_84 : vector<16x128xf32>
    %mul3A_85 = arith.mulf %mul3A_59, %sub3A : vector<16x128xf32>
    %add3A_86 = arith.addf %add3A, %mul3A_85 : vector<16x128xf32>
    %mul3A_87 = arith.constant 5.000000e-01 : f32
    %mul3A_88 = vector.broadcast %mul3A_87 : f32 to vector<16x128xf32>
    %mul3A_89 = arith.mulf %mul3A_88, %sub3A_81 : vector<16x128xf32>
    %add3A_90 = arith.addf %squeeze3A_76, %mul3A_89 : vector<16x128xf32>
    %mul3A_91 = arith.mulf %mul3A_62, %sub3A_81 : vector<16x128xf32>
    %add3A_92 = arith.addf %add3A_90, %mul3A_91 : vector<16x128xf32>
    %exp3A = math.exp %mul3A_65 : vector<16x128xf32>
    %mul3A_93 = arith.mulf %sub3A, %exp3A : vector<16x128xf32>
    %exp3A_94 = math.exp %mul3A_68 : vector<16x128xf32>
    %mul3A_95 = arith.mulf %sub3A_81, %exp3A_94 : vector<16x128xf32>
    %mul3A_96 = arith.constant 5.000000e-01 : f32
    %mul3A_97 = vector.broadcast %mul3A_96 : f32 to vector<16x128xf32>
    %mul3A_98 = arith.mulf %mul3A_97, %mul3A_93 : vector<16x128xf32>
    %sub3A_99 = arith.subf %add3A_86, %mul3A_98 : vector<16x128xf32>
    %mul3A_100 = arith.constant 5.000000e-01 : f32
    %mul3A_101 = vector.broadcast %mul3A_100 : f32 to vector<16x128xf32>
    %mul3A_102 = arith.mulf %mul3A_101, %mul3A_95 : vector<16x128xf32>
    %sub3A_103 = arith.subf %add3A_92, %mul3A_102 : vector<16x128xf32>
    %add3A_104 = arith.addf %sub3A_99, %mul3A_93 : vector<16x128xf32>
    %add3A_105 = arith.addf %sub3A_103, %mul3A_95 : vector<16x128xf32>
    %get3A_106 = arith.constant 0 : index
    %get3A_107 = arith.constant 0 : index
    %get3A_108 = arith.constant 0 : index
    %get3A_109 = vector.load %arg5[%get3A_106, %get3A_107, %get3A_108] : memref<1x1x4xf32, #tpu.memory_space<vmem>>, vector<1x1x1xf32>
    %get3A_110 = vector.extract %get3A_109[0, 0, 0] : f32 from vector<1x1x1xf32>
    %get3A_111 = arith.constant 0 : index
    %get3A_112 = arith.constant 0 : index
    %get3A_113 = arith.constant 1 : index
    %get3A_114 = vector.load %arg5[%get3A_111, %get3A_112, %get3A_113] : memref<1x1x4xf32, #tpu.memory_space<vmem>>, vector<1x1x1xf32>
    %get3A_115 = vector.extract %get3A_114[0, 0, 0] : f32 from vector<1x1x1xf32>
    %get3A_116 = arith.constant 0 : index
    %get3A_117 = arith.constant 0 : index
    %get3A_118 = arith.constant 2 : index
    %get3A_119 = vector.load %arg5[%get3A_116, %get3A_117, %get3A_118] : memref<1x1x4xf32, #tpu.memory_space<vmem>>, vector<1x1x1xf32>
    %get3A_120 = vector.extract %get3A_119[0, 0, 0] : f32 from vector<1x1x1xf32>
    %get3A_121 = arith.constant 0 : index
    %get3A_122 = arith.constant 0 : index
    %get3A_123 = arith.constant 3 : index
    %get3A_124 = vector.load %arg5[%get3A_121, %get3A_122, %get3A_123] : memref<1x1x4xf32, #tpu.memory_space<vmem>>, vector<1x1x1xf32>
    %get3A_125 = vector.extract %get3A_124[0, 0, 0] : f32 from vector<1x1x1xf32>
    %max3A = vector.broadcast %get3A_110 : f32 to vector<16x128xf32>
    %max3A_126 = arith.maximumf %max3A, %sub3A_99 : vector<16x128xf32>
    %min3A = vector.broadcast %get3A_120 : f32 to vector<16x128xf32>
    %min3A_127 = arith.minimumf %min3A, %max3A_126 : vector<16x128xf32>
    %swap3A = arith.constant 0 : index
    %swap3A_128 = arith.constant 0 : index
    %swap3A_129 = arith.constant 0 : index
    %swap3A_130 = vector.load %arg6[%swap3A, %swap3A_128, %swap3A_129] : memref<1x16x128xf32, #tpu.memory_space<vmem>>, vector<1x16x128xf32>
    %swap3A_131 = vector.shape_cast %swap3A_130 : vector<1x16x128xf32> to vector<16x128xf32>
    %swap3A_132 = vector.shape_cast %min3A_127 : vector<16x128xf32> to vector<1x16x128xf32>
    tpu.vector_store %arg6[%swap3A, %swap3A_128, %swap3A_129], %swap3A_132 {strides = array<i32>} : memref<1x16x128xf32, #tpu.memory_space<vmem>>, vector<1x16x128xf32>,
    %max3A_133 = vector.broadcast %get3A_115 : f32 to vector<16x128xf32>
    %max3A_134 = arith.maximumf %max3A_133, %sub3A_103 : vector<16x128xf32>
    %min3A_135 = vector.broadcast %get3A_125 : f32 to vector<16x128xf32>
    %min3A_136 = arith.minimumf %min3A_135, %max3A_134 : vector<16x128xf32>
    %swap3A_137 = arith.constant 0 : index
    %swap3A_138 = arith.constant 0 : index
    %swap3A_139 = arith.constant 0 : index
    %swap3A_140 = vector.load %arg7[%swap3A_137, %swap3A_138, %swap3A_139] : memref<1x16x128xf32, #tpu.memory_space<vmem>>, vector<1x16x128xf32>
    %swap3A_141 = vector.shape_cast %swap3A_140 : vector<1x16x128xf32> to vector<16x128xf32>
    %swap3A_142 = vector.shape_cast %min3A_136 : vector<16x128xf32> to vector<1x16x128xf32>
    tpu.vector_store %arg7[%swap3A_137, %swap3A_138, %swap3A_139], %swap3A_142 {strides = array<i32>} : memref<1x16x128xf32, #tpu.memory_space<vmem>>, vector<1x16x128xf32>,
    %max3A_143 = vector.broadcast %get3A_110 : f32 to vector<16x128xf32>
    %max3A_144 = arith.maximumf %max3A_143, %add3A_104 : vector<16x128xf32>
    %min3A_145 = vector.broadcast %get3A_120 : f32 to vector<16x128xf32>
    %min3A_146 = arith.minimumf %min3A_145, %max3A_144 : vector<16x128xf32>
    %swap3A_147 = arith.constant 0 : index
    %swap3A_148 = arith.constant 0 : index
    %swap3A_149 = arith.constant 0 : index
    %swap3A_150 = vector.load %arg8[%swap3A_147, %swap3A_148, %swap3A_149] : memref<1x16x128xf32, #tpu.memory_space<vmem>>, vector<1x16x128xf32>
    %swap3A_151 = vector.shape_cast %swap3A_150 : vector<1x16x128xf32> to vector<16x128xf32>
    %swap3A_152 = vector.shape_cast %min3A_146 : vector<16x128xf32> to vector<1x16x128xf32>
    tpu.vector_store %arg8[%swap3A_147, %swap3A_148, %swap3A_149], %swap3A_152 {strides = array<i32>} : memref<1x16x128xf32, #tpu.memory_space<vmem>>, vector<1x16x128xf32>,
    %max3A_153 = vector.broadcast %get3A_115 : f32 to vector<16x128xf32>
    %max3A_154 = arith.maximumf %max3A_153, %add3A_105 : vector<16x128xf32>
    %min3A_155 = vector.broadcast %get3A_125 : f32 to vector<16x128xf32>
    %min3A_156 = arith.minimumf %min3A_155, %max3A_154 : vector<16x128xf32>
    %swap3A_157 = arith.constant 0 : index
    %swap3A_158 = arith.constant 0 : index
    %swap3A_159 = arith.constant 0 : index
    %swap3A_160 = vector.load %arg9[%swap3A_157, %swap3A_158, %swap3A_159] : memref<1x16x128xf32, #tpu.memory_space<vmem>>, vector<1x16x128xf32>
    %swap3A_161 = vector.shape_cast %swap3A_160 : vector<1x16x128xf32> to vector<16x128xf32>
    %swap3A_162 = vector.shape_cast %min3A_156 : vector<16x128xf32> to vector<1x16x128xf32>
    tpu.vector_store %arg9[%swap3A_157, %swap3A_158, %swap3A_159], %swap3A_162 {strides = array<i32>} : memref<1x16x128xf32, #tpu.memory_space<vmem>>, vector<1x16x128xf32>,
    %gt3A = arith.constant 0 : i32
    %gt3A_163 = vector.broadcast %gt3A : i32 to vector<16x128xi32>
    %gt3A_164 = arith.cmpi sgt, %reduce_min3A_8, %gt3A_163 : vector<16x128xi32>
    %ge3A = arith.constant 0.699999988 : f32
    %ge3A_165 = vector.broadcast %ge3A : f32 to vector<16x128xf32>
    %ge3A_166 = arith.cmpf oge, %reduce_max3A_5, %ge3A_165 : vector<16x128xf32>
    %and3A_167 = arith.andi %gt3A_164, %ge3A_166 : vector<16x128xi1>
    %jit3A_168 = arith.constant 0xFF800000 : f32
    %broadcast_in_dim3A_169 = vector.broadcast %jit3A_168 : f32 to vector<16x128xf32>
    %select_n3A_170 = arith.select %and3A_167, %reduce_max3A_5, %broadcast_in_dim3A_169 : vector<16x128xi1>, vector<16x128xf32>
    %swap3A_171 = arith.constant 0 : index
    %swap3A_172 = arith.constant 0 : index
    %swap3A_173 = arith.constant 0 : index
    %swap3A_174 = vector.load %arg10[%swap3A_171, %swap3A_172, %swap3A_173] : memref<1x16x128xf32, #tpu.memory_space<vmem>>, vector<1x16x128xf32>
    %swap3A_175 = vector.shape_cast %swap3A_174 : vector<1x16x128xf32> to vector<16x128xf32>
    %swap3A_176 = vector.shape_cast %select_n3A_170 : vector<16x128xf32> to vector<1x16x128xf32>
    tpu.vector_store %arg10[%swap3A_171, %swap3A_172, %swap3A_173], %swap3A_176 {strides = array<i32>} : memref<1x16x128xf32, #tpu.memory_space<vmem>>, vector<1x16x128xf32>,
    %swap3A_177 = arith.constant 0 : index
    %swap3A_178 = arith.constant 0 : index
    %swap3A_179 = arith.constant 0 : index
    %swap3A_180 = vector.load %arg11[%swap3A_177, %swap3A_178, %swap3A_179] : memref<1x16x128xi32, #tpu.memory_space<vmem>>, vector<1x16x128xi32>
    %swap3A_181 = vector.shape_cast %swap3A_180 : vector<1x16x128xi32> to vector<16x128xi32>
    %swap3A_182 = vector.shape_cast %reduce_min3A_8 : vector<16x128xi32> to vector<1x16x128xi32>
    tpu.vector_store %arg11[%swap3A_177, %swap3A_178, %swap3A_179], %swap3A_182 {strides = array<i32>} : memref<1x16x128xi32, #tpu.memory_space<vmem>>, vector<1x16x128xi32>,
    return
  }
  func.func @transform_0(%arg0: i32, %arg1: i32) -> (i32, i32, i32, i32) {
    %c0_i32 = arith.constant 0 : i32
    %c0_i32_0 = arith.constant 0 : i32
    %c0_i32_1 = arith.constant 0 : i32
    return %arg0, %arg1, %c0_i32, %c0_i32_0 : i32, i32, i32, i32
  }
  func.func @transform_1(%arg0: i32, %arg1: i32) -> (i32, i32, i32, i32) {
    %c0_i32 = arith.constant 0 : i32
    %c0_i32_0 = arith.constant 0 : i32
    %c0_i32_1 = arith.constant 0 : i32
    return %arg0, %arg1, %c0_i32, %c0_i32_0 : i32, i32, i32, i32
  }
  func.func @transform_2(%arg0: i32, %arg1: i32) -> (i32, i32, i32, i32) {
    %c0_i32 = arith.constant 0 : i32
    %c0_i32_0 = arith.constant 0 : i32
    %c0_i32_1 = arith.constant 0 : i32
    return %arg0, %arg1, %c0_i32, %c0_i32_0 : i32, i32, i32, i32
  }
  func.func @transform_3(%arg0: i32, %arg1: i32) -> (i32, i32, i32) {
    %c0_i32 = arith.constant 0 : i32
    %c0_i32_0 = arith.constant 0 : i32
    %c0_i32_1 = arith.constant 0 : i32
    return %arg0, %c0_i32, %c0_i32_0 : i32, i32, i32
  }
  func.func @transform_4(%arg0: i32, %arg1: i32) -> (i32, i32, i32) {
    %c0_i32 = arith.constant 0 : i32
    %c0_i32_0 = arith.constant 0 : i32
    return %arg0, %arg1, %c0_i32 : i32, i32, i32
  }
  func.func @transform_5(%arg0: i32, %arg1: i32) -> (i32, i32, i32) {
    %c0_i32 = arith.constant 0 : i32
    %c0_i32_0 = arith.constant 0 : i32
    return %arg0, %arg1, %c0_i32 : i32, i32, i32
  }
  func.func @transform_6(%arg0: i32, %arg1: i32) -> (i32, i32, i32) {
    %c0_i32 = arith.constant 0 : i32
    %c0_i32_0 = arith.constant 0 : i32
    return %arg0, %arg1, %c0_i32 : i32, i32, i32
  }
  func.func @transform_7(%arg0: i32, %arg1: i32) -> (i32, i32, i32) {
    %c0_i32 = arith.constant 0 : i32
    %c0_i32_0 = arith.constant 0 : i32
    return %arg0, %arg1, %c0_i32 : i32, i32, i32
  }
  func.func @transform_8(%arg0: i32, %arg1: i32) -> (i32, i32, i32) {
    %c0_i32 = arith.constant 0 : i32
    %c0_i32_0 = arith.constant 0 : i32
    return %arg0, %arg1, %c0_i32 : i32, i32, i32
  }
  func.func @transform_9(%arg0: i32, %arg1: i32) -> (i32, i32, i32) {
    %c0_i32 = arith.constant 0 : i32
    %c0_i32_0 = arith.constant 0 : i32
    return %arg0, %arg1, %c0_i32 : i32, i32, i32
  }
}

module attributes {stable_mosaic.version = 14 : i64} {
  func.func @_select_kernel(%arg0: i32, %arg1: memref<1x160x128xf32, #tpu.memory_space<vmem>>, %arg2: memref<1x160x128xf32, #tpu.memory_space<vmem>>, %arg3: memref<1x160x128xf32, #tpu.memory_space<vmem>>, %arg4: memref<1x160x128xf32, #tpu.memory_space<vmem>>, %arg5: memref<1x160x128xf32, #tpu.memory_space<vmem>>, %arg6: memref<1x160x128xi32, #tpu.memory_space<vmem>>, %arg7: memref<1x100x6xf32, #tpu.memory_space<vmem>>) attributes {dimension_semantics = [#tpu.dimension_semantics<arbitrary>], iteration_bounds = array<i64: 2>, scalar_prefetch = 0 : i64, scratch_operands = 0 : i64, tpu.core_type = #tpu.core_type<tc>, window_params = [{transform_indices = @transform_0, window_bounds = array<i64: 1, 160, 128>}, {transform_indices = @transform_1, window_bounds = array<i64: 1, 160, 128>}, {transform_indices = @transform_2, window_bounds = array<i64: 1, 160, 128>}, {transform_indices = @transform_3, window_bounds = array<i64: 1, 160, 128>}, {transform_indices = @transform_4, window_bounds = array<i64: 1, 160, 128>}, {transform_indices = @transform_5, window_bounds = array<i64: 1, 160, 128>}, {transform_indices = @transform_6, window_bounds = array<i64: 1, 100, 6>}]} {
    %get3A = arith.constant 0 : index
    %get3A_0 = arith.constant 0 : index
    %get3A_1 = arith.constant 0 : index
    %get3A_2 = vector.load %arg1[%get3A, %get3A_0, %get3A_1] : memref<1x160x128xf32, #tpu.memory_space<vmem>>, vector<1x160x128xf32>
    %get3A_3 = vector.shape_cast %get3A_2 : vector<1x160x128xf32> to vector<160x128xf32>
    %get3A_4 = arith.constant 0 : index
    %get3A_5 = arith.constant 0 : index
    %get3A_6 = arith.constant 0 : index
    %get3A_7 = vector.load %arg2[%get3A_4, %get3A_5, %get3A_6] : memref<1x160x128xf32, #tpu.memory_space<vmem>>, vector<1x160x128xf32>
    %get3A_8 = vector.shape_cast %get3A_7 : vector<1x160x128xf32> to vector<160x128xf32>
    %get3A_9 = arith.constant 0 : index
    %get3A_10 = arith.constant 0 : index
    %get3A_11 = arith.constant 0 : index
    %get3A_12 = vector.load %arg3[%get3A_9, %get3A_10, %get3A_11] : memref<1x160x128xf32, #tpu.memory_space<vmem>>, vector<1x160x128xf32>
    %get3A_13 = vector.shape_cast %get3A_12 : vector<1x160x128xf32> to vector<160x128xf32>
    %get3A_14 = arith.constant 0 : index
    %get3A_15 = arith.constant 0 : index
    %get3A_16 = arith.constant 0 : index
    %get3A_17 = vector.load %arg4[%get3A_14, %get3A_15, %get3A_16] : memref<1x160x128xf32, #tpu.memory_space<vmem>>, vector<1x160x128xf32>
    %get3A_18 = vector.shape_cast %get3A_17 : vector<1x160x128xf32> to vector<160x128xf32>
    %get3A_19 = arith.constant 0 : index
    %get3A_20 = arith.constant 0 : index
    %get3A_21 = arith.constant 0 : index
    %get3A_22 = vector.load %arg5[%get3A_19, %get3A_20, %get3A_21] : memref<1x160x128xf32, #tpu.memory_space<vmem>>, vector<1x160x128xf32>
    %get3A_23 = vector.shape_cast %get3A_22 : vector<1x160x128xf32> to vector<160x128xf32>
    %get3A_24 = arith.constant 0 : index
    %get3A_25 = arith.constant 0 : index
    %get3A_26 = arith.constant 0 : index
    %get3A_27 = vector.load %arg6[%get3A_24, %get3A_25, %get3A_26] : memref<1x160x128xi32, #tpu.memory_space<vmem>>, vector<1x160x128xi32>
    %get3A_28 = vector.shape_cast %get3A_27 : vector<1x160x128xi32> to vector<160x128xi32>
    %sub3A = arith.subf %get3A_13, %get3A_3 : vector<160x128xf32>
    %sub3A_29 = arith.subf %get3A_18, %get3A_8 : vector<160x128xf32>
    %mul3A = arith.mulf %sub3A, %sub3A_29 : vector<160x128xf32>
    %iota3A = tpu.iota {dimensions = array<i32: 0>} : vector<160x128xi32>
    %mul3A_30 = arith.constant 128 : i32
    %mul3A_31 = vector.broadcast %mul3A_30 : i32 to vector<160x128xi32>
    %mul3A_32 = arith.muli %iota3A, %mul3A_31 : vector<160x128xi32>
    %iota3A_33 = tpu.iota {dimensions = array<i32: 1>} : vector<160x128xi32>
    %add3A = arith.addi %mul3A_32, %iota3A_33 : vector<160x128xi32>
    %iota3A_34 = tpu.iota {dimensions = array<i32: 1>} : vector<1x160xi32>
    %iota3A_35 = tpu.iota {dimensions = array<i32: 1>} : vector<1x128xi32>
    %broadcast_in_dim3A = arith.constant 0 : i32
    %broadcast_in_dim3A_36 = vector.broadcast %broadcast_in_dim3A : i32 to vector<1x128xi32>
    %broadcast_in_dim3A_37 = arith.constant 0xFF800000 : f32
    %broadcast_in_dim3A_38 = vector.broadcast %broadcast_in_dim3A_37 : f32 to vector<1x160xf32>
    %broadcast_in_dim3A_39 = arith.constant 0.000000e+00 : f32
    %broadcast_in_dim3A_40 = vector.broadcast %broadcast_in_dim3A_39 : f32 to vector<1x160xf32>
    %broadcast_in_dim3A_41 = arith.constant 0.000000e+00 : f32
    %broadcast_in_dim3A_42 = vector.broadcast %broadcast_in_dim3A_41 : f32 to vector<1x160xf32>
    %broadcast_in_dim3A_43 = arith.constant 0.000000e+00 : f32
    %broadcast_in_dim3A_44 = vector.broadcast %broadcast_in_dim3A_43 : f32 to vector<1x160xf32>
    %broadcast_in_dim3A_45 = arith.constant 0.000000e+00 : f32
    %broadcast_in_dim3A_46 = vector.broadcast %broadcast_in_dim3A_45 : f32 to vector<1x160xf32>
    %broadcast_in_dim3A_47 = arith.constant 0.000000e+00 : f32
    %broadcast_in_dim3A_48 = vector.broadcast %broadcast_in_dim3A_47 : f32 to vector<1x160xf32>
    %broadcast_in_dim3A_49 = arith.constant -1 : i32
    %broadcast_in_dim3A_50 = vector.broadcast %broadcast_in_dim3A_49 : i32 to vector<1x160xi32>
    %broadcast_in_dim3A_51 = arith.constant 0 : i32
    %broadcast_in_dim3A_52 = vector.broadcast %broadcast_in_dim3A_51 : i32 to vector<1x160xi32>
    %while3A = arith.constant 0xFF800000 : f32
    %while3A_53 = arith.constant 0xFF800000 : f32
    %while3A_54 = arith.constant 0 : i32
    %while3A_55:11 = scf.while (%while3A_77 = %get3A_23, %while3A_78 = %broadcast_in_dim3A_36, %while3A_79 = %broadcast_in_dim3A_38, %while3A_80 = %broadcast_in_dim3A_40, %while3A_81 = %broadcast_in_dim3A_42, %while3A_82 = %broadcast_in_dim3A_44, %while3A_83 = %broadcast_in_dim3A_46, %while3A_84 = %broadcast_in_dim3A_48, %while3A_85 = %broadcast_in_dim3A_50, %while3A_86 = %broadcast_in_dim3A_52, %while3A_87 = %while3A_54) : (vector<160x128xf32>, vector<1x128xi32>, vector<1x160xf32>, vector<1x160xf32>, vector<1x160xf32>, vector<1x160xf32>, vector<1x160xf32>, vector<1x160xf32>, vector<1x160xi32>, vector<1x160xi32>, i32) -> (vector<160x128xf32>, vector<1x128xi32>, vector<1x160xf32>, vector<1x160xf32>, vector<1x160xf32>, vector<1x160xf32>, vector<1x160xf32>, vector<1x160xf32>, vector<1x160xi32>, vector<1x160xi32>, i32) {
      %reduce_max3A = vector.shape_cast %while3A_77 : vector<160x128xf32> to vector<1x160x128xf32>
      %reduce_max3A_88 = arith.constant dense<0xFF800000> : vector<1xf32>
      %reduce_max3A_89 = vector.multi_reduction <maximumf>, %reduce_max3A, %reduce_max3A_88 [1, 2] : vector<1x160x128xf32> to vector<1xf32>
      %reduce_max3A_90 = vector.shape_cast %reduce_max3A_89 : vector<1xf32> to vector<1x1x1xf32>
      %reduce_max3A_91 = vector.extract %reduce_max3A_90[0, 0, 0] : f32 from vector<1x1x1xf32>
      %eq3A = arith.constant 99 : i32
      %eq3A_92 = vector.broadcast %eq3A : i32 to vector<1x160xi32>
      %eq3A_93 = arith.cmpi eq, %iota3A_34, %eq3A_92 : vector<1x160xi32>
      %jit3A = arith.constant 0.000000e+00 : f32
      %broadcast_in_dim3A_94 = vector.broadcast %jit3A : f32 to vector<1x160xf32>
      %select_n3A = arith.select %eq3A_93, %while3A_79, %broadcast_in_dim3A_94 : vector<1x160xi1>, vector<1x160xf32>
      %reduce_sum3A = vector.shape_cast %select_n3A : vector<1x160xf32> to vector<1x1x160xf32>
      %reduce_sum3A_95 = arith.constant dense<0.000000e+00> : vector<1xf32>
      %reduce_sum3A_96 = vector.multi_reduction <add>, %reduce_sum3A, %reduce_sum3A_95 [1, 2] : vector<1x1x160xf32> to vector<1xf32>
      %reduce_sum3A_97 = vector.shape_cast %reduce_sum3A_96 : vector<1xf32> to vector<1x1x1xf32>
      %reduce_sum3A_98 = vector.extract %reduce_sum3A_97[0, 0, 0] : f32 from vector<1x1x1xf32>
      %gt3A = arith.cmpf ogt, %reduce_max3A_91, %while3A : f32
      %lt3A_99 = arith.constant 100 : i32
      %lt3A_100 = arith.cmpi slt, %while3A_87, %lt3A_99 : i32
      %ge3A = arith.cmpf oge, %reduce_max3A_91, %reduce_sum3A_98 : f32
      %lt3A_101 = arith.constant 160 : i32
      %lt3A_102 = arith.cmpi slt, %while3A_87, %lt3A_101 : i32
      %and3A = arith.andi %ge3A, %lt3A_102 : i1
      %or3A = arith.ori %lt3A_100, %and3A : i1
      %and3A_103 = arith.andi %gt3A, %or3A : i1
      scf.condition(%and3A_103) %while3A_77, %while3A_78, %while3A_79, %while3A_80, %while3A_81, %while3A_82, %while3A_83, %while3A_84, %while3A_85, %while3A_86, %while3A_87 : vector<160x128xf32>, vector<1x128xi32>, vector<1x160xf32>, vector<1x160xf32>, vector<1x160xf32>, vector<1x160xf32>, vector<1x160xf32>, vector<1x160xf32>, vector<1x160xi32>, vector<1x160xi32>, i32
    } do {
    ^bb0(%while3A_77: vector<160x128xf32>, %while3A_78: vector<1x128xi32>, %while3A_79: vector<1x160xf32>, %while3A_80: vector<1x160xf32>, %while3A_81: vector<1x160xf32>, %while3A_82: vector<1x160xf32>, %while3A_83: vector<1x160xf32>, %while3A_84: vector<1x160xf32>, %while3A_85: vector<1x160xi32>, %while3A_86: vector<1x160xi32>, %while3A_87: i32):
      %reduce_max3A = vector.shape_cast %while3A_77 : vector<160x128xf32> to vector<1x160x128xf32>
      %reduce_max3A_88 = arith.constant dense<0xFF800000> : vector<1xf32>
      %reduce_max3A_89 = vector.multi_reduction <maximumf>, %reduce_max3A, %reduce_max3A_88 [1, 2] : vector<1x160x128xf32> to vector<1xf32>
      %reduce_max3A_90 = vector.shape_cast %reduce_max3A_89 : vector<1xf32> to vector<1x1x1xf32>
      %reduce_max3A_91 = vector.extract %reduce_max3A_90[0, 0, 0] : f32 from vector<1x1x1xf32>
      %eq3A = vector.broadcast %reduce_max3A_91 : f32 to vector<160x128xf32>
      %eq3A_92 = arith.cmpf oeq, %while3A_77, %eq3A : vector<160x128xf32>
      %jit3A = arith.constant 20480 : i32
      %broadcast_in_dim3A_93 = vector.broadcast %jit3A : i32 to vector<160x128xi32>
      %select_n3A = arith.select %eq3A_92, %add3A, %broadcast_in_dim3A_93 : vector<160x128xi1>, vector<160x128xi32>
      %reduce_min3A = vector.shape_cast %select_n3A : vector<160x128xi32> to vector<1x160x128xi32>
      %reduce_min3A_94 = arith.constant dense<2147483647> : vector<1xi32>
      %reduce_min3A_95 = vector.multi_reduction <minsi>, %reduce_min3A, %reduce_min3A_94 [1, 2] : vector<1x160x128xi32> to vector<1xi32>
      %reduce_min3A_96 = vector.shape_cast %reduce_min3A_95 : vector<1xi32> to vector<1x1x1xi32>
      %reduce_min3A_97 = vector.extract %reduce_min3A_96[0, 0, 0] : i32 from vector<1x1x1xi32>
      %eq3A_98 = vector.broadcast %reduce_min3A_97 : i32 to vector<160x128xi32>
      %eq3A_99 = arith.cmpi eq, %add3A, %eq3A_98 : vector<160x128xi32>
      %jit3A_100 = arith.constant 0 : i32
      %broadcast_in_dim3A_101 = vector.broadcast %jit3A_100 : i32 to vector<160x128xi32>
      %select_n3A_102 = arith.select %eq3A_99, %get3A_28, %broadcast_in_dim3A_101 : vector<160x128xi1>, vector<160x128xi32>
      %reduce_sum3A = vector.shape_cast %select_n3A_102 : vector<160x128xi32> to vector<1x160x128xi32>
      %reduce_sum3A_103 = arith.constant dense<0> : vector<1xi32>
      %reduce_sum3A_104 = vector.multi_reduction <add>, %reduce_sum3A, %reduce_sum3A_103 [1, 2] : vector<1x160x128xi32> to vector<1xi32>
      %reduce_sum3A_105 = vector.shape_cast %reduce_sum3A_104 : vector<1xi32> to vector<1x1x1xi32>
      %reduce_sum3A_106 = vector.extract %reduce_sum3A_105[0, 0, 0] : i32 from vector<1x1x1xi32>
      %jit3A_107 = arith.constant 0.000000e+00 : f32
      %broadcast_in_dim3A_108 = vector.broadcast %jit3A_107 : f32 to vector<160x128xf32>
      %select_n3A_109 = arith.select %eq3A_99, %get3A_3, %broadcast_in_dim3A_108 : vector<160x128xi1>, vector<160x128xf32>
      %reduce_sum3A_110 = vector.shape_cast %select_n3A_109 : vector<160x128xf32> to vector<1x160x128xf32>
      %reduce_sum3A_111 = arith.constant dense<0.000000e+00> : vector<1xf32>
      %reduce_sum3A_112 = vector.multi_reduction <add>, %reduce_sum3A_110, %reduce_sum3A_111 [1, 2] : vector<1x160x128xf32> to vector<1xf32>
      %reduce_sum3A_113 = vector.shape_cast %reduce_sum3A_112 : vector<1xf32> to vector<1x1x1xf32>
      %reduce_sum3A_114 = vector.extract %reduce_sum3A_113[0, 0, 0] : f32 from vector<1x1x1xf32>
      %jit3A_115 = arith.constant 0.000000e+00 : f32
      %broadcast_in_dim3A_116 = vector.broadcast %jit3A_115 : f32 to vector<160x128xf32>
      %select_n3A_117 = arith.select %eq3A_99, %get3A_8, %broadcast_in_dim3A_116 : vector<160x128xi1>, vector<160x128xf32>
      %reduce_sum3A_118 = vector.shape_cast %select_n3A_117 : vector<160x128xf32> to vector<1x160x128xf32>
      %reduce_sum3A_119 = arith.constant dense<0.000000e+00> : vector<1xf32>
      %reduce_sum3A_120 = vector.multi_reduction <add>, %reduce_sum3A_118, %reduce_sum3A_119 [1, 2] : vector<1x160x128xf32> to vector<1xf32>
      %reduce_sum3A_121 = vector.shape_cast %reduce_sum3A_120 : vector<1xf32> to vector<1x1x1xf32>
      %reduce_sum3A_122 = vector.extract %reduce_sum3A_121[0, 0, 0] : f32 from vector<1x1x1xf32>
      %jit3A_123 = arith.constant 0.000000e+00 : f32
      %broadcast_in_dim3A_124 = vector.broadcast %jit3A_123 : f32 to vector<160x128xf32>
      %select_n3A_125 = arith.select %eq3A_99, %get3A_13, %broadcast_in_dim3A_124 : vector<160x128xi1>, vector<160x128xf32>
      %reduce_sum3A_126 = vector.shape_cast %select_n3A_125 : vector<160x128xf32> to vector<1x160x128xf32>
      %reduce_sum3A_127 = arith.constant dense<0.000000e+00> : vector<1xf32>
      %reduce_sum3A_128 = vector.multi_reduction <add>, %reduce_sum3A_126, %reduce_sum3A_127 [1, 2] : vector<1x160x128xf32> to vector<1xf32>
      %reduce_sum3A_129 = vector.shape_cast %reduce_sum3A_128 : vector<1xf32> to vector<1x1x1xf32>
      %reduce_sum3A_130 = vector.extract %reduce_sum3A_129[0, 0, 0] : f32 from vector<1x1x1xf32>
      %jit3A_131 = arith.constant 0.000000e+00 : f32
      %broadcast_in_dim3A_132 = vector.broadcast %jit3A_131 : f32 to vector<160x128xf32>
      %select_n3A_133 = arith.select %eq3A_99, %get3A_18, %broadcast_in_dim3A_132 : vector<160x128xi1>, vector<160x128xf32>
      %reduce_sum3A_134 = vector.shape_cast %select_n3A_133 : vector<160x128xf32> to vector<1x160x128xf32>
      %reduce_sum3A_135 = arith.constant dense<0.000000e+00> : vector<1xf32>
      %reduce_sum3A_136 = vector.multi_reduction <add>, %reduce_sum3A_134, %reduce_sum3A_135 [1, 2] : vector<1x160x128xf32> to vector<1xf32>
      %reduce_sum3A_137 = vector.shape_cast %reduce_sum3A_136 : vector<1xf32> to vector<1x1x1xf32>
      %reduce_sum3A_138 = vector.extract %reduce_sum3A_137[0, 0, 0] : f32 from vector<1x1x1xf32>
      %jit3A_139 = arith.constant 0.000000e+00 : f32
      %broadcast_in_dim3A_140 = vector.broadcast %jit3A_139 : f32 to vector<160x128xf32>
      %select_n3A_141 = arith.select %eq3A_99, %mul3A, %broadcast_in_dim3A_140 : vector<160x128xi1>, vector<160x128xf32>
      %reduce_sum3A_142 = vector.shape_cast %select_n3A_141 : vector<160x128xf32> to vector<1x160x128xf32>
      %reduce_sum3A_143 = arith.constant dense<0.000000e+00> : vector<1xf32>
      %reduce_sum3A_144 = vector.multi_reduction <add>, %reduce_sum3A_142, %reduce_sum3A_143 [1, 2] : vector<1x160x128xf32> to vector<1xf32>
      %reduce_sum3A_145 = vector.shape_cast %reduce_sum3A_144 : vector<1xf32> to vector<1x1x1xf32>
      %reduce_sum3A_146 = vector.extract %reduce_sum3A_145[0, 0, 0] : f32 from vector<1x1x1xf32>
      %max3A = vector.broadcast %reduce_sum3A_114 : f32 to vector<1x160xf32>
      %max3A_147 = arith.maximumf %max3A, %while3A_80 : vector<1x160xf32>
      %max3A_148 = vector.broadcast %reduce_sum3A_122 : f32 to vector<1x160xf32>
      %max3A_149 = arith.maximumf %max3A_148, %while3A_81 : vector<1x160xf32>
      %min3A = vector.broadcast %reduce_sum3A_130 : f32 to vector<1x160xf32>
      %min3A_150 = arith.minimumf %min3A, %while3A_82 : vector<1x160xf32>
      %min3A_151 = vector.broadcast %reduce_sum3A_138 : f32 to vector<1x160xf32>
      %min3A_152 = arith.minimumf %min3A_151, %while3A_83 : vector<1x160xf32>
      %sub3A_153 = arith.subf %min3A_150, %max3A_147 : vector<1x160xf32>
      %max3A_154 = arith.constant 0.000000e+00 : f32
      %max3A_155 = vector.broadcast %max3A_154 : f32 to vector<1x160xf32>
      %max3A_156 = arith.maximumf %max3A_155, %sub3A_153 : vector<1x160xf32>
      %sub3A_157 = arith.subf %min3A_152, %max3A_149 : vector<1x160xf32>
      %max3A_158 = arith.constant 0.000000e+00 : f32
      %max3A_159 = vector.broadcast %max3A_158 : f32 to vector<1x160xf32>
      %max3A_160 = arith.maximumf %max3A_159, %sub3A_157 : vector<1x160xf32>
      %mul3A_161 = arith.mulf %max3A_156, %max3A_160 : vector<1x160xf32>
      %add3A_162 = vector.broadcast %reduce_sum3A_146 : f32 to vector<1x160xf32>
      %add3A_163 = arith.addf %add3A_162, %while3A_84 : vector<1x160xf32>
      %sub3A_164 = arith.subf %add3A_163, %mul3A_161 : vector<1x160xf32>
      %gt3A = arith.constant 0.000000e+00 : f32
      %gt3A_165 = vector.broadcast %gt3A : f32 to vector<1x160xf32>
      %gt3A_166 = arith.cmpf ogt, %sub3A_164, %gt3A_165 : vector<1x160xf32>
      %max3A_167 = arith.constant 9.99999996E-13 : f32
      %max3A_168 = vector.broadcast %max3A_167 : f32 to vector<1x160xf32>
      %max3A_169 = arith.maximumf %sub3A_164, %max3A_168 : vector<1x160xf32>
      %div3A = arith.divf %mul3A_161, %max3A_169 : vector<1x160xf32>
      %jit3A_170 = arith.constant 0.000000e+00 : f32
      %broadcast_in_dim3A_171 = vector.broadcast %jit3A_170 : f32 to vector<1x160xf32>
      %select_n3A_172 = arith.select %gt3A_166, %div3A, %broadcast_in_dim3A_171 : vector<1x160xi1>, vector<1x160xf32>
      %eq3A_173 = vector.broadcast %reduce_sum3A_106 : i32 to vector<1x160xi32>
      %eq3A_174 = arith.cmpi eq, %while3A_85, %eq3A_173 : vector<1x160xi32>
      %lt3A_175 = vector.broadcast %while3A_87 : i32 to vector<1x160xi32>
      %lt3A_176 = arith.cmpi slt, %iota3A_34, %lt3A_175 : vector<1x160xi32>
      %and3A = arith.andi %eq3A_174, %lt3A_176 : vector<1x160xi1>
      %gt3A_177 = arith.constant 3.000000e-01 : f32
      %gt3A_178 = vector.broadcast %gt3A_177 : f32 to vector<1x160xf32>
      %gt3A_179 = arith.cmpf ogt, %select_n3A_172, %gt3A_178 : vector<1x160xf32>
      %and3A_180 = arith.andi %and3A, %gt3A_179 : vector<1x160xi1>
      %reduce_or3A = arith.constant 1.000000e+00 : f32
      %reduce_or3A_181 = arith.constant 0.000000e+00 : f32
      %reduce_or3A_182 = vector.broadcast %reduce_or3A : f32 to vector<1x160xf32>
      %reduce_or3A_183 = vector.broadcast %reduce_or3A_181 : f32 to vector<1x160xf32>
      %reduce_or3A_184 = arith.select %and3A_180, %reduce_or3A_182, %reduce_or3A_183 : vector<1x160xi1>, vector<1x160xf32>
      %reduce_or3A_185 = vector.shape_cast %reduce_or3A_184 : vector<1x160xf32> to vector<1x1x160xf32>
      %reduce_or3A_186 = arith.constant dense<0xFF800000> : vector<1xf32>
      %reduce_or3A_187 = vector.multi_reduction <maximumf>, %reduce_or3A_185, %reduce_or3A_186 [1, 2] : vector<1x1x160xf32> to vector<1xf32>
      %reduce_or3A_188 = vector.shape_cast %reduce_or3A_187 : vector<1xf32> to vector<1x1x1xf32>
      %reduce_or3A_189 = vector.extract %reduce_or3A_188[0, 0, 0] : f32 from vector<1x1x1xf32>
      %reduce_or3A_190 = arith.constant 0.000000e+00 : f32
      %reduce_or3A_191 = arith.cmpf ogt, %reduce_or3A_189, %reduce_or3A_190 : f32
      %eq3A_192 = vector.broadcast %reduce_sum3A_106 : i32 to vector<1x128xi32>
      %eq3A_193 = arith.cmpi eq, %iota3A_35, %eq3A_192 : vector<1x128xi32>
      %jit3A_194 = arith.constant 0 : i32
      %broadcast_in_dim3A_195 = vector.broadcast %jit3A_194 : i32 to vector<1x128xi32>
      %select_n3A_196 = arith.select %eq3A_193, %while3A_78, %broadcast_in_dim3A_195 : vector<1x128xi1>, vector<1x128xi32>
      %reduce_sum3A_197 = vector.shape_cast %select_n3A_196 : vector<1x128xi32> to vector<1x1x128xi32>
      %reduce_sum3A_198 = arith.constant dense<0> : vector<1xi32>
      %reduce_sum3A_199 = vector.multi_reduction <add>, %reduce_sum3A_197, %reduce_sum3A_198 [1, 2] : vector<1x1x128xi32> to vector<1xi32>
      %reduce_sum3A_200 = vector.shape_cast %reduce_sum3A_199 : vector<1xi32> to vector<1x1x1xi32>
      %reduce_sum3A_201 = vector.extract %reduce_sum3A_200[0, 0, 0] : i32 from vector<1x1x1xi32>
      %not3A = arith.constant true
      %not3A_202 = arith.xori %reduce_or3A_191, %not3A : i1
      %lt3A_203 = arith.constant 100 : i32
      %lt3A_204 = arith.cmpi slt, %reduce_sum3A_201, %lt3A_203 : i32
      %and3A_205 = arith.andi %not3A_202, %lt3A_204 : i1
      %eq3A_206 = vector.broadcast %while3A_87 : i32 to vector<1x160xi32>
      %eq3A_207 = arith.cmpi eq, %iota3A_34, %eq3A_206 : vector<1x160xi32>
      %and3A_208 = vector.broadcast %and3A_205 : i1 to vector<1x160xi1>
      %and3A_209 = arith.andi %eq3A_207, %and3A_208 : vector<1x160xi1>
      %broadcast_in_dim3A_210 = vector.broadcast %reduce_max3A_91 : f32 to vector<1x160xf32>
      %select_n3A_211 = arith.select %and3A_209, %broadcast_in_dim3A_210, %while3A_79 : vector<1x160xi1>, vector<1x160xf32>
      %broadcast_in_dim3A_212 = vector.broadcast %reduce_sum3A_114 : f32 to vector<1x160xf32>
      %select_n3A_213 = arith.select %and3A_209, %broadcast_in_dim3A_212, %while3A_80 : vector<1x160xi1>, vector<1x160xf32>
      %broadcast_in_dim3A_214 = vector.broadcast %reduce_sum3A_122 : f32 to vector<1x160xf32>
      %select_n3A_215 = arith.select %and3A_209, %broadcast_in_dim3A_214, %while3A_81 : vector<1x160xi1>, vector<1x160xf32>
      %broadcast_in_dim3A_216 = vector.broadcast %reduce_sum3A_130 : f32 to vector<1x160xf32>
      %select_n3A_217 = arith.select %and3A_209, %broadcast_in_dim3A_216, %while3A_82 : vector<1x160xi1>, vector<1x160xf32>
      %broadcast_in_dim3A_218 = vector.broadcast %reduce_sum3A_138 : f32 to vector<1x160xf32>
      %select_n3A_219 = arith.select %and3A_209, %broadcast_in_dim3A_218, %while3A_83 : vector<1x160xi1>, vector<1x160xf32>
      %broadcast_in_dim3A_220 = vector.broadcast %reduce_sum3A_146 : f32 to vector<1x160xf32>
      %select_n3A_221 = arith.select %and3A_209, %broadcast_in_dim3A_220, %while3A_84 : vector<1x160xi1>, vector<1x160xf32>
      %broadcast_in_dim3A_222 = vector.broadcast %reduce_sum3A_106 : i32 to vector<1x160xi32>
      %select_n3A_223 = arith.select %and3A_209, %broadcast_in_dim3A_222, %while3A_85 : vector<1x160xi1>, vector<1x160xi32>
      %broadcast_in_dim3A_224 = vector.broadcast %reduce_sum3A_201 : i32 to vector<1x160xi32>
      %select_n3A_225 = arith.select %and3A_209, %broadcast_in_dim3A_224, %while3A_86 : vector<1x160xi1>, vector<1x160xi32>
      %eq3A_226 = vector.broadcast %reduce_sum3A_106 : i32 to vector<1x128xi32>
      %eq3A_227 = arith.cmpi eq, %iota3A_35, %eq3A_226 : vector<1x128xi32>
      %and3A_228 = vector.broadcast %and3A_205 : i1 to vector<1x128xi1>
      %and3A_229 = arith.andi %eq3A_227, %and3A_228 : vector<1x128xi1>
      %add3A_230 = arith.constant 1 : i32
      %add3A_231 = vector.broadcast %add3A_230 : i32 to vector<1x128xi32>
      %add3A_232 = arith.addi %while3A_78, %add3A_231 : vector<1x128xi32>
      %select_n3A_233 = arith.select %and3A_229, %add3A_232, %while3A_78 : vector<1x128xi1>, vector<1x128xi32>
      %convert_element_type3A_234 = arith.extui %and3A_205 : i1 to i32
      %add3A_235 = arith.addi %while3A_87, %convert_element_type3A_234 : i32
      %broadcast_in_dim3A_236 = vector.broadcast %while3A_53 : f32 to vector<160x128xf32>
      %select_n3A_237 = arith.select %eq3A_99, %broadcast_in_dim3A_236, %while3A_77 : vector<160x128xi1>, vector<160x128xf32>
      scf.yield %select_n3A_237, %select_n3A_233, %select_n3A_211, %select_n3A_213, %select_n3A_215, %select_n3A_217, %select_n3A_219, %select_n3A_221, %select_n3A_223, %select_n3A_225, %add3A_235 : vector<160x128xf32>, vector<1x128xi32>, vector<1x160xf32>, vector<1x160xf32>, vector<1x160xf32>, vector<1x160xf32>, vector<1x160xf32>, vector<1x160xf32>, vector<1x160xi32>, vector<1x160xi32>, i32
    }
    %mul3A_56 = arith.constant 100 : i32
    %mul3A_57 = vector.broadcast %mul3A_56 : i32 to vector<1x160xi32>
    %mul3A_58 = arith.muli %while3A_55#8, %mul3A_57 : vector<1x160xi32>
    %add3A_59 = arith.addi %mul3A_58, %while3A_55#9 : vector<1x160xi32>
    %iota3A_60 = tpu.iota {dimensions = array<i32: 0>} : vector<100x6xi32>
    %iota3A_61 = tpu.iota {dimensions = array<i32: 1>} : vector<100x6xi32>
    %broadcast_in_dim3A_62 = arith.constant 0.000000e+00 : f32
    %broadcast_in_dim3A_63 = vector.broadcast %broadcast_in_dim3A_62 : f32 to vector<100x6xf32>
    %lt3A = vector.broadcast %while3A_55#10 : i32 to vector<1x160xi32>
    %lt3A_64 = arith.cmpi slt, %iota3A_34, %lt3A : vector<1x160xi32>
    %convert_element_type3A = arith.extui %lt3A_64 : vector<1x160xi1> to vector<1x160xi32>
    %scan3A = arith.constant 0xFF800000 : f32
    %scan3A_65 = arith.constant 1073741824 : i32
    %scan3A_66 = arith.constant 0 : i32
    %scan3A_67 = arith.constant 100 : i32
    %scan3A_68 = arith.addi %scan3A_66, %scan3A_67 : i32
    %scan3A_69 = arith.constant 1 : i32
    %scan3A_70:2 = scf.for %scan3A_77 = %scan3A_66 to %scan3A_68 step %scan3A_69 iter_args(%scan3A_78 = %broadcast_in_dim3A_63, %scan3A_79 = %convert_element_type3A) -> (vector<100x6xf32>, vector<1x160xi32>)  : i32 {
      %ne3A = arith.constant 0 : i32
      %ne3A_80 = vector.broadcast %ne3A : i32 to vector<1x160xi32>
      %ne3A_81 = arith.cmpi ne, %scan3A_79, %ne3A_80 : vector<1x160xi32>
      %broadcast_in_dim3A_82 = vector.broadcast %scan3A : f32 to vector<1x160xf32>
      %select_n3A = arith.select %ne3A_81, %while3A_55#2, %broadcast_in_dim3A_82 : vector<1x160xi1>, vector<1x160xf32>
      %reduce_max3A = vector.shape_cast %select_n3A : vector<1x160xf32> to vector<1x1x160xf32>
      %reduce_max3A_83 = arith.constant dense<0xFF800000> : vector<1xf32>
      %reduce_max3A_84 = vector.multi_reduction <maximumf>, %reduce_max3A, %reduce_max3A_83 [1, 2] : vector<1x1x160xf32> to vector<1xf32>
      %reduce_max3A_85 = vector.shape_cast %reduce_max3A_84 : vector<1xf32> to vector<1x1x1xf32>
      %reduce_max3A_86 = vector.extract %reduce_max3A_85[0, 0, 0] : f32 from vector<1x1x1xf32>
      %eq3A = vector.broadcast %reduce_max3A_86 : f32 to vector<1x160xf32>
      %eq3A_87 = arith.cmpf oeq, %while3A_55#2, %eq3A : vector<1x160xf32>
      %and3A = arith.andi %ne3A_81, %eq3A_87 : vector<1x160xi1>
      %broadcast_in_dim3A_88 = vector.broadcast %scan3A_65 : i32 to vector<1x160xi32>
      %select_n3A_89 = arith.select %and3A, %add3A_59, %broadcast_in_dim3A_88 : vector<1x160xi1>, vector<1x160xi32>
      %reduce_min3A = vector.shape_cast %select_n3A_89 : vector<1x160xi32> to vector<1x1x160xi32>
      %reduce_min3A_90 = arith.constant dense<2147483647> : vector<1xi32>
      %reduce_min3A_91 = vector.multi_reduction <minsi>, %reduce_min3A, %reduce_min3A_90 [1, 2] : vector<1x1x160xi32> to vector<1xi32>
      %reduce_min3A_92 = vector.shape_cast %reduce_min3A_91 : vector<1xi32> to vector<1x1x1xi32>
      %reduce_min3A_93 = vector.extract %reduce_min3A_92[0, 0, 0] : i32 from vector<1x1x1xi32>
      %eq3A_94 = vector.broadcast %reduce_min3A_93 : i32 to vector<1x160xi32>
      %eq3A_95 = arith.cmpi eq, %add3A_59, %eq3A_94 : vector<1x160xi32>
      %and3A_96 = arith.andi %and3A, %eq3A_95 : vector<1x160xi1>
      %jit3A = arith.constant 160 : i32
      %broadcast_in_dim3A_97 = vector.broadcast %jit3A : i32 to vector<1x160xi32>
      %select_n3A_98 = arith.select %and3A_96, %iota3A_34, %broadcast_in_dim3A_97 : vector<1x160xi1>, vector<1x160xi32>
      %reduce_min3A_99 = vector.shape_cast %select_n3A_98 : vector<1x160xi32> to vector<1x1x160xi32>
      %reduce_min3A_100 = arith.constant dense<2147483647> : vector<1xi32>
      %reduce_min3A_101 = vector.multi_reduction <minsi>, %reduce_min3A_99, %reduce_min3A_100 [1, 2] : vector<1x1x160xi32> to vector<1xi32>
      %reduce_min3A_102 = vector.shape_cast %reduce_min3A_101 : vector<1xi32> to vector<1x1x1xi32>
      %reduce_min3A_103 = vector.extract %reduce_min3A_102[0, 0, 0] : i32 from vector<1x1x1xi32>
      %eq3A_104 = vector.broadcast %reduce_min3A_103 : i32 to vector<1x160xi32>
      %eq3A_105 = arith.cmpi eq, %iota3A_34, %eq3A_104 : vector<1x160xi32>
      %jit3A_106 = arith.constant 0.000000e+00 : f32
      %broadcast_in_dim3A_107 = vector.broadcast %jit3A_106 : f32 to vector<1x160xf32>
      %select_n3A_108 = arith.select %eq3A_105, %while3A_55#3, %broadcast_in_dim3A_107 : vector<1x160xi1>, vector<1x160xf32>
      %reduce_sum3A = vector.shape_cast %select_n3A_108 : vector<1x160xf32> to vector<1x1x160xf32>
      %reduce_sum3A_109 = arith.constant dense<0.000000e+00> : vector<1xf32>
      %reduce_sum3A_110 = vector.multi_reduction <add>, %reduce_sum3A, %reduce_sum3A_109 [1, 2] : vector<1x1x160xf32> to vector<1xf32>
      %reduce_sum3A_111 = vector.shape_cast %reduce_sum3A_110 : vector<1xf32> to vector<1x1x1xf32>
      %reduce_sum3A_112 = vector.extract %reduce_sum3A_111[0, 0, 0] : f32 from vector<1x1x1xf32>
      %jit3A_113 = arith.constant 0.000000e+00 : f32
      %broadcast_in_dim3A_114 = vector.broadcast %jit3A_113 : f32 to vector<1x160xf32>
      %select_n3A_115 = arith.select %eq3A_105, %while3A_55#4, %broadcast_in_dim3A_114 : vector<1x160xi1>, vector<1x160xf32>
      %reduce_sum3A_116 = vector.shape_cast %select_n3A_115 : vector<1x160xf32> to vector<1x1x160xf32>
      %reduce_sum3A_117 = arith.constant dense<0.000000e+00> : vector<1xf32>
      %reduce_sum3A_118 = vector.multi_reduction <add>, %reduce_sum3A_116, %reduce_sum3A_117 [1, 2] : vector<1x1x160xf32> to vector<1xf32>
      %reduce_sum3A_119 = vector.shape_cast %reduce_sum3A_118 : vector<1xf32> to vector<1x1x1xf32>
      %reduce_sum3A_120 = vector.extract %reduce_sum3A_119[0, 0, 0] : f32 from vector<1x1x1xf32>
      %jit3A_121 = arith.constant 0.000000e+00 : f32
      %broadcast_in_dim3A_122 = vector.broadcast %jit3A_121 : f32 to vector<1x160xf32>
      %select_n3A_123 = arith.select %eq3A_105, %while3A_55#5, %broadcast_in_dim3A_122 : vector<1x160xi1>, vector<1x160xf32>
      %reduce_sum3A_124 = vector.shape_cast %select_n3A_123 : vector<1x160xf32> to vector<1x1x160xf32>
      %reduce_sum3A_125 = arith.constant dense<0.000000e+00> : vector<1xf32>
      %reduce_sum3A_126 = vector.multi_reduction <add>, %reduce_sum3A_124, %reduce_sum3A_125 [1, 2] : vector<1x1x160xf32> to vector<1xf32>
      %reduce_sum3A_127 = vector.shape_cast %reduce_sum3A_126 : vector<1xf32> to vector<1x1x1xf32>
      %reduce_sum3A_128 = vector.extract %reduce_sum3A_127[0, 0, 0] : f32 from vector<1x1x1xf32>
      %jit3A_129 = arith.constant 0.000000e+00 : f32
      %broadcast_in_dim3A_130 = vector.broadcast %jit3A_129 : f32 to vector<1x160xf32>
      %select_n3A_131 = arith.select %eq3A_105, %while3A_55#6, %broadcast_in_dim3A_130 : vector<1x160xi1>, vector<1x160xf32>
      %reduce_sum3A_132 = vector.shape_cast %select_n3A_131 : vector<1x160xf32> to vector<1x1x160xf32>
      %reduce_sum3A_133 = arith.constant dense<0.000000e+00> : vector<1xf32>
      %reduce_sum3A_134 = vector.multi_reduction <add>, %reduce_sum3A_132, %reduce_sum3A_133 [1, 2] : vector<1x1x160xf32> to vector<1xf32>
      %reduce_sum3A_135 = vector.shape_cast %reduce_sum3A_134 : vector<1xf32> to vector<1x1x1xf32>
      %reduce_sum3A_136 = vector.extract %reduce_sum3A_135[0, 0, 0] : f32 from vector<1x1x1xf32>
      %jit3A_137 = arith.constant 0 : i32
      %broadcast_in_dim3A_138 = vector.broadcast %jit3A_137 : i32 to vector<1x160xi32>
      %select_n3A_139 = arith.select %eq3A_105, %while3A_55#8, %broadcast_in_dim3A_138 : vector<1x160xi1>, vector<1x160xi32>
      %reduce_sum3A_140 = vector.shape_cast %select_n3A_139 : vector<1x160xi32> to vector<1x1x160xi32>
      %reduce_sum3A_141 = arith.constant dense<0> : vector<1xi32>
      %reduce_sum3A_142 = vector.multi_reduction <add>, %reduce_sum3A_140, %reduce_sum3A_141 [1, 2] : vector<1x1x160xi32> to vector<1xi32>
      %reduce_sum3A_143 = vector.shape_cast %reduce_sum3A_142 : vector<1xi32> to vector<1x1x1xi32>
      %reduce_sum3A_144 = vector.extract %reduce_sum3A_143[0, 0, 0] : i32 from vector<1x1x1xi32>
      %convert_element_type3A_145 = arith.sitofp %reduce_sum3A_144 : i32 to f32
      %jit3A_146 = arith.constant 0.000000e+00 : f32
      %broadcast_in_dim3A_147 = vector.broadcast %jit3A_146 : f32 to vector<1x160xf32>
      %select_n3A_148 = arith.select %eq3A_105, %while3A_55#2, %broadcast_in_dim3A_147 : vector<1x160xi1>, vector<1x160xf32>
      %reduce_sum3A_149 = vector.shape_cast %select_n3A_148 : vector<1x160xf32> to vector<1x1x160xf32>
      %reduce_sum3A_150 = arith.constant dense<0.000000e+00> : vector<1xf32>
      %reduce_sum3A_151 = vector.multi_reduction <add>, %reduce_sum3A_149, %reduce_sum3A_150 [1, 2] : vector<1x1x160xf32> to vector<1xf32>
      %reduce_sum3A_152 = vector.shape_cast %reduce_sum3A_151 : vector<1xf32> to vector<1x1x1xf32>
      %reduce_sum3A_153 = vector.extract %reduce_sum3A_152[0, 0, 0] : f32 from vector<1x1x1xf32>
      %gt3A = arith.cmpf ogt, %reduce_max3A_86, %scan3A : f32
      %eq3A_154 = vector.broadcast %scan3A_77 : i32 to vector<100x6xi32>
      %eq3A_155 = arith.cmpi eq, %iota3A_60, %eq3A_154 : vector<100x6xi32>
      %and3A_156 = vector.broadcast %gt3A : i1 to vector<100x6xi1>
      %and3A_157 = arith.andi %eq3A_155, %and3A_156 : vector<100x6xi1>
      %eq3A_158 = arith.constant 0 : i32
      %eq3A_159 = vector.broadcast %eq3A_158 : i32 to vector<100x6xi32>
      %eq3A_160 = arith.cmpi eq, %iota3A_61, %eq3A_159 : vector<100x6xi32>
      %eq3A_161 = arith.constant 1 : i32
      %eq3A_162 = vector.broadcast %eq3A_161 : i32 to vector<100x6xi32>
      %eq3A_163 = arith.cmpi eq, %iota3A_61, %eq3A_162 : vector<100x6xi32>
      %eq3A_164 = arith.constant 2 : i32
      %eq3A_165 = vector.broadcast %eq3A_164 : i32 to vector<100x6xi32>
      %eq3A_166 = arith.cmpi eq, %iota3A_61, %eq3A_165 : vector<100x6xi32>
      %eq3A_167 = arith.constant 3 : i32
      %eq3A_168 = vector.broadcast %eq3A_167 : i32 to vector<100x6xi32>
      %eq3A_169 = arith.cmpi eq, %iota3A_61, %eq3A_168 : vector<100x6xi32>
      %eq3A_170 = arith.constant 4 : i32
      %eq3A_171 = vector.broadcast %eq3A_170 : i32 to vector<100x6xi32>
      %eq3A_172 = arith.cmpi eq, %iota3A_61, %eq3A_171 : vector<100x6xi32>
      %broadcast_in_dim3A_173 = vector.broadcast %convert_element_type3A_145 : f32 to vector<100x6xf32>
      %broadcast_in_dim3A_174 = vector.broadcast %reduce_sum3A_153 : f32 to vector<100x6xf32>
      %select_n3A_175 = arith.select %eq3A_172, %broadcast_in_dim3A_173, %broadcast_in_dim3A_174 : vector<100x6xi1>, vector<100x6xf32>
      %broadcast_in_dim3A_176 = vector.broadcast %reduce_sum3A_136 : f32 to vector<100x6xf32>
      %select_n3A_177 = arith.select %eq3A_169, %broadcast_in_dim3A_176, %select_n3A_175 : vector<100x6xi1>, vector<100x6xf32>
      %broadcast_in_dim3A_178 = vector.broadcast %reduce_sum3A_128 : f32 to vector<100x6xf32>
      %select_n3A_179 = arith.select %eq3A_166, %broadcast_in_dim3A_178, %select_n3A_177 : vector<100x6xi1>, vector<100x6xf32>
      %broadcast_in_dim3A_180 = vector.broadcast %reduce_sum3A_120 : f32 to vector<100x6xf32>
      %select_n3A_181 = arith.select %eq3A_163, %broadcast_in_dim3A_180, %select_n3A_179 : vector<100x6xi1>, vector<100x6xf32>
      %broadcast_in_dim3A_182 = vector.broadcast %reduce_sum3A_112 : f32 to vector<100x6xf32>
      %select_n3A_183 = arith.select %eq3A_160, %broadcast_in_dim3A_182, %select_n3A_181 : vector<100x6xi1>, vector<100x6xf32>
      %select_n3A_184 = arith.select %and3A_157, %select_n3A_183, %scan3A_78 : vector<100x6xi1>, vector<100x6xf32>
      %ne3A_185 = vector.broadcast %reduce_min3A_103 : i32 to vector<1x160xi32>
      %ne3A_186 = arith.cmpi ne, %iota3A_34, %ne3A_185 : vector<1x160xi32>
      %jit3A_187 = arith.constant 0 : i32
      %broadcast_in_dim3A_188 = vector.broadcast %jit3A_187 : i32 to vector<1x160xi32>
      %select_n3A_189 = arith.select %ne3A_186, %scan3A_79, %broadcast_in_dim3A_188 : vector<1x160xi1>, vector<1x160xi32>
      scf.yield %select_n3A_184, %select_n3A_189 : vector<100x6xf32>, vector<1x160xi32>
    }
    %scan3A_71 = arith.constant 100 : i32
    %swap3A = arith.constant 0 : index
    %swap3A_72 = arith.constant 0 : index
    %swap3A_73 = arith.constant 0 : index
    %swap3A_74 = vector.load %arg7[%swap3A, %swap3A_72, %swap3A_73] : memref<1x100x6xf32, #tpu.memory_space<vmem>>, vector<1x100x6xf32>
    %swap3A_75 = vector.shape_cast %swap3A_74 : vector<1x100x6xf32> to vector<100x6xf32>
    %swap3A_76 = vector.shape_cast %scan3A_70#0 : vector<100x6xf32> to vector<1x100x6xf32>
    tpu.vector_store %arg7[%swap3A, %swap3A_72, %swap3A_73], %swap3A_76 {strides = array<i32>} : memref<1x100x6xf32, #tpu.memory_space<vmem>>, vector<1x100x6xf32>,
    return
  }
  func.func @transform_0(%arg0: i32) -> (i32, i32, i32) {
    %c0_i32 = arith.constant 0 : i32
    %c0_i32_0 = arith.constant 0 : i32
    %c0_i32_1 = arith.constant 0 : i32
    return %arg0, %c0_i32, %c0_i32_0 : i32, i32, i32
  }
  func.func @transform_1(%arg0: i32) -> (i32, i32, i32) {
    %c0_i32 = arith.constant 0 : i32
    %c0_i32_0 = arith.constant 0 : i32
    %c0_i32_1 = arith.constant 0 : i32
    return %arg0, %c0_i32, %c0_i32_0 : i32, i32, i32
  }
  func.func @transform_2(%arg0: i32) -> (i32, i32, i32) {
    %c0_i32 = arith.constant 0 : i32
    %c0_i32_0 = arith.constant 0 : i32
    %c0_i32_1 = arith.constant 0 : i32
    return %arg0, %c0_i32, %c0_i32_0 : i32, i32, i32
  }
  func.func @transform_3(%arg0: i32) -> (i32, i32, i32) {
    %c0_i32 = arith.constant 0 : i32
    %c0_i32_0 = arith.constant 0 : i32
    %c0_i32_1 = arith.constant 0 : i32
    return %arg0, %c0_i32, %c0_i32_0 : i32, i32, i32
  }
  func.func @transform_4(%arg0: i32) -> (i32, i32, i32) {
    %c0_i32 = arith.constant 0 : i32
    %c0_i32_0 = arith.constant 0 : i32
    %c0_i32_1 = arith.constant 0 : i32
    return %arg0, %c0_i32, %c0_i32_0 : i32, i32, i32
  }
  func.func @transform_5(%arg0: i32) -> (i32, i32, i32) {
    %c0_i32 = arith.constant 0 : i32
    %c0_i32_0 = arith.constant 0 : i32
    %c0_i32_1 = arith.constant 0 : i32
    return %arg0, %c0_i32, %c0_i32_0 : i32, i32, i32
  }
  func.func @transform_6(%arg0: i32) -> (i32, i32, i32) {
    %c0_i32 = arith.constant 0 : i32
    %c0_i32_0 = arith.constant 0 : i32
    %c0_i32_1 = arith.constant 0 : i32
    return %arg0, %c0_i32, %c0_i32_0 : i32, i32, i32
  }
}

</mosaic_0001>

<sc_bundles>
// kernel: sparse-core-data-format-call.cloned.1.call-start
scs
called_computation_lowered:
.L_overlay_start_0:
0x0: {  	s1 =	sld [smem:$0x3FD9]  }
0x1: {  	s2 =	sld [smem:$0x3FFE];
	_ =	sdelay $0x1  }
0x2: {  	s3 =	srdreg.scid  }
0x3: {  	s0 =	sand.u32 $0x1, s3  }
0x4: {  	s17 =	sshll.u32 s0, $0xA;
	s1 =	sadd.s32 s2, s1  }
0x5: {  	s1 =	sadd.s32 s1, s17  }
0x6: {  	[smem:$0x3FC4] =	sst s1  }
0x7: {  	_ = 	snop  }
0x8: {  	(tm) =	ssettm $0x1  }
0x9: {  	s18 =	sld [smem:$0x3FFB];
	_ =	sdelay $0x3  }
0xa: {  	_ =	strace s18  }
0xb: {  	s1 =	sld [smem:$0x3FFC];
	_ =	sdelay $0x3  }
0xc: {  	_ =	strace s1  }
0xd: {  	s1 =	sld [smem:$0x3FFD];
	_ =	sdelay $0x3  }
0xe: {  	_ =	strace s1  }
0xf: {  	_ =	strace $0x8FFFFFFF  }
0x10: {  	s19 =	sld [smem:$0x3FDB];
	_ =	sdelay $0x1  }
0x11: {  	s20 =	simm.s32 $_scs_section_size  }
0x12: {  	s4 =	simm.s32 $_size__tile_overlayer_lowered;
	s5 =	simm.s32 $_tile_overlayer_lowered  }
0x13: {  	s23 =	simm.s32 $0x1BFF;
	s22 =	sshll.u32 s5, $0x1;
	s1 =	sadd.s32 s20, s19  }
0x14: {  	s6 =	simm.s32 $0x0;
	s21 =	sshll.u32 s4, $0x1;
	s4 =	sadd.s32 s22, s1  }
0x15: {  	[timem:s6], [sflag:s23] =	dma.local [hbm:s4], s21  }
0x16: {  	_ =	swait.ge [sflag:s23], s21  }
0x17: {  	s2 =	ssub.s32 $0x0, s21;
	[sflag:s23] =	ssyncset.done $0x0  }
0x18: {  	[sflag:s23] =	ssyncadd.s32 s2;
	_ =	sdelay $0x1  }
0x19: {  	s24 =	simm.s32 $0x1B8B  }
0x1a: {  	_ =	swait.ge [sflag:s24], $0x1  }
0x1b: {  	[sflag:s24] =	ssyncset.done $0x0  }
0x1c: {  	s26 =	simm.s32 $0x1B8E;
	s25 =	sld [smem:$0x3FFE];
	[sflag:s24] =	ssyncadd.s32 $0xFFFFFFFF  }
0x1d: {  	s27 =	simm.s32 $execute0_lowered;
	[smem:$0x3FD2] =	sst s26  }
0x1e: {  	s4 =	sshll.u32 s27, $0x1;
	_ =	strace $0x80000046;
	[dreg:$0x1] =	wrdreg $0xFFFFFFFF  }
0x1f: {  	s28 =	simm.s32 $_size_execute0_lowered;
	s1 =	sadd.s32 s1, s4;
	[dreg:$0x0] =	wrdreg $0x0  }
0x20: {  	s4 =	sshll.u32 s28, $0x1;
	[dreg:$0x2] =	wrdreg s1  }
0x21: {  	[dreg:$0x3] =	wrdreg s4  }
0x22: {  	[dreg:$0x4] =	wrdreg $0xC0  }
0x23: {  	_ =	task [dreg:s6], $0x5FFFF  }
0x24: {  	[dreg:$0x1] =	wrdreg $0xFFFFFFFF  }
0x25: {  	[dreg:$0x0] =	wrdreg $0x60  }
0x26: {  	[dreg:$0x2] =	wrdreg s25  }
0x27: {  	[dreg:$0x3] =	wrdreg $0x9  }
0x28: {  	_ =	task.clear_ibuf [dreg:s6], $0x4FFFF;
	_ =	strace $0x90000046  }
0x29: {  	s29 =	simm.s32 $0x9;
	_ =	strace $0x80000048  }
0x2a: {  	_ =	swait.ge [sflag:s29], $0x1  }
0x2b: {  	[sflag:s29] =	ssyncadd.s32 $0xFFFFFFFF  }
0x2c: {  	_ =	strace $0x90000048  }
0x2d: {  	_ =	sfence  }
0x2e: {  	s30 =	sld [smem:$0x0];
	_ =	sdelay $0x2  }
0x2f: {  	s31 =	sshll.u32 s3, $0xD;
	s3 =	sshrl.u32 s3, $0x2  }
0x30: {  	s2 =	sand.u32 $0x4000, s31;
	s1 =	sadd.s32 s3, s30  }
0x31: {  	s0 =	sor.u32 s2, s0;
	s1 =	sshll.u32 s1, $0x11  }
0x32: {  	s0 =	sor.u32 s1, s0  }
0x33: {  	s0 =	sadd.s32 $0x8F2B, s0  }
0x34: {  	[sflag:s0] =	ssyncadd.remote.s32 $0x1  }
0x35: {  	_ =	sfence.sel $0xFFFF  }
0x36: {  	[dreg:$0x0] =	wrdreg $0xFFFFFFFF;
	(pc) =	sbr.abs _section_cstart, $3  }
0x37: {  	[dreg:$0x1] =	wrdreg $0xFFFFFFFF  }
0x38: {  	_ =	task.clear_ibuf [dreg:s6], $0x2FFFF;
	_ =	strace $0x9FFFFFFF  }
0x39: {  	(tm) =	ssettm $0x7FFFFFFF  }
tec
execute0_lowered:
.L_overlay_start_1:
0x0: {  	(tag) =	ssettag $0x1  }
0x1: {  	s2 =	stileid.u32  }
0x2: {  	s0 =	srdreg.scid;
	s28 =	rddreg [dreg:$0x0]  }
0x3: {  	_ =	strace $0x80000047;
	s29 =	simm.s32 $0x1;
	s30 =	simm.s32 $0x2  }
0x4: {  	s19 =	simm.s32 $0x0;
	s1 =	sshll.u32 s2, $0x6;
	s0 =	sshll.u32 s0, $0xA  }
0x5: {  	s21 =	simm.s32 $0x0;
	s20 =	simm.s32 $0x0;
	s0 =	sor.u32 s1, s0  }
0x6: {  	s12 =	simm.s32 $0x0;
	s7 =	sand.u32 $0x1, s2;
	s8 =	sand.u32 $0x780, s0  }
0x7: {  	s13 =	simm.s32 $0x0;
	s25 =	ssub.s32 $0x2, s7;
	s26 =	ssub.s32 $0x4E00, s8  }
0x8: {  	s27 =	sshrl.u32 s25, $0x1;
	s0 =	sand.u32 $0x1, s25;
	s1 =	sshrl.u32 s26, $0xB  }
0x9: {  	s31 =	sadd.s32 $0x18F400, s28;
	s0 =	sadd.s32 s0, s27;
	s1 =	sadd.s32 $0x1, s1  }
0xa: {  	s16 =	simm.s32 $0x0;
	[dreg:$0x6] =	wrdreg s31;
	s0 =	smul.u32 s1, s0  }
.Ltmp0:
0xb: {  	s10 =	sadd.s32 $0x1C00, s28;
	[dreg:$0x2] =	wrdreg s7;
	(pc) =	sbr.rel .LBB1_1-.Ltmp0, $4  }
0xc: {  	s17 =	simm.s32 $0x0;
	[dreg:$0x5] =	wrdreg s10;
	s9 =	smul.u32 $0x3, s0  }
0xd: {  	s18 =	simm.s32 $0x0;
	[sflag:s29] =	ssyncpa.u1 $0x0;
	[dreg:$0x3] =	wrdreg s8  }
0xe: {  	[sflag:s30] =	ssyncpa.u1 $0x0;
	s11 =	sadd.s32 $0x1, s9;
	[dreg:$0x4] =	wrdreg s9  }
0xf: {  	s14 =	smov.u32 s7;
	s15 =	smov.u32 s8;
	[dreg:$0x7] =	wrdreg s11  }
.LBB1_14:
0x10: {  	s12 =	rddreg [dreg:$0x8]  }
0x11: {  	s16 =	rddreg [dreg:$0xb]  }
0x12: {  	s5 =	rddreg [dreg:$0x11]  }
0x13: {  	s6 =	rddreg [dreg:$0x13]  }
0x14: {  	s24 =	rddreg [dreg:$0x12]  }
0x15: {  	s13 =	rddreg [dreg:$0x9]  }
0x16: {  	s26 =	rddreg [dreg:$0x6]  }
0x17: {  	s29 =	rddreg [dreg:$0x14]  }
0x18: {  	s7 =	rddreg [dreg:$0x2]  }
0x19: {  	s8 =	rddreg [dreg:$0x3]  }
0x1a: {  	s9 =	rddreg [dreg:$0x4]  }
0x1b: {  	s10 =	rddreg [dreg:$0x5]  }
0x1c: {  	s11 =	rddreg [dreg:$0x7]  }
0x1d: {  	s15 =	rddreg [dreg:$0xa]  }
0x1e: {  	s17 =	rddreg [dreg:$0xc]  }
0x1f: {  	s31 =	simm.s32 $0xC00;
	s18 =	rddreg [dreg:$0xd];
	s0 =	sshrl.u32 s12, $0x3  }
0x20: {  	s1 =	sshll.u32 s16, $0x3;
	s2 =	sshll.u32 s12, $0x7;
	s0 =	smul.u32 $0xC00, s0  }
0x21: {  	s22 =	sand.u32 $0x7F, s16;
	p0 =	sgt.s32 s16, $0x100;
	s1 =	sand.u32 $0xFFFFFC00, s1  }
0x22: {  	s21 =	sand.u32 $0x380, s2;
	s0 =	sadd.s32 s1, s0;
	s1 =	smov.u32 s16  }
0x23: {  	s4 =	smov.u32 s12;
	s0 =	sor.u32 s21, s0;
	s1 =	simm.s32 @!p0 $0x100  }
0x24: {  	p0 =	sgt.s32 s12, $0x4DA0;
	s2 =	sor.u32 s22, s0;
	s0 =	smulhi.u32 $0xAAAAAAAB, s0  }
0x25: {  	s25 =	smul.u32 $0xEA600, s13;
	s1 =	sadd.s32 s5, s1;
	s4 =	simm.s32 @!p0 $0x4DA0  }
0x26: {  	s5 =	sadd.s32 $0xFFFFFF00, s1;
	s4 =	sadd.s32 s6, s4;
	s0 =	sshrl.u32 s0, $0x8  }
0x27: {  	s1 =	ssub.s32 $0x180, s1;
	p0 =	sgt.s32 s5, $0x7F;
	s23 =	smulhi.u32 $0x1A36E3, s0  }
0x28: {  	s3 =	smulhi.u32 $0xAAAAAAAB, s2;
	s6 =	sadd.s32 $0xFFFFB260, s4;
	s1 =	simm.s32 @p0 $0x0  }
0x29: {  	s4 =	ssub.s32 $0x4E20, s4;
	s1 =	smul.u32 s24, s1;
	s5 =	sshrl.u32 s23, $0x3  }
0x2a: {  	p0 =	sgt.s32 s6, $0x7F;
	s3 =	sshrl.u32 s3, $0x8;
	s5 =	smul.u32 $0x4E20, s5  }
0x2b: {  	s19 =	rddreg [dreg:$0xe];
	s3 =	smul.u32 $0x180, s3;
	s4 =	simm.s32 @p0 $0x0  }
0x2c: {  	s20 =	rddreg [dreg:$0xf];
	s1 =	smul.u32 s4, s1;
	s0 =	ssub.s32 s0, s5  }
0x2d: {  	s21 =	rddreg [dreg:$0x10];
	s2 =	ssub.s32 s2, s3;
	s0 =	smul.u32 $0x30, s0  }
0x2e: {  	s3 =	sadd.s32 s26, s25;
	s4 =	sor.u32 $0x8000, s29;
	s27 =	sand.u32 $0x7, s2  }
0x2f: {  	s2 =	sshrl.u32 s2, $0x3;
	s28 =	sshll.u32 s27, $0x12;
	s0 =	sadd.s32 s0, s3  }
0x30: {  	s1 =	sand.u32 $0x3FFFFFFF, s1;
	s30 =	sor.u32 $0x400, s28;
	s0 =	sadd.s32 s2, s0  }
0x31: {  	[hbm4b:s0+s30] =	stream.strided.scatter [tilespmem:s4], [sflag:$0x2], s1, s31, s30, $0x20;
	[tilespmem:$0x10100] =	vst v63  }
.LBB1_15:
0x32: {  	p0 =	slt.u32 s18, $0x2;
	s1 =	smov.u32 s21;
	s3 =	smov.u32 s19  }
0x33: {  	p1 =	sgt.s32 @!p0 s21, $0x1;
	s0 =	sshra.s32 @!p0 s21, $0x1F;
	p2 =	sgt.s32 @!p0 s20, $0x100  }
0x34: {  	s2 =	sshra.s32 @!p0 s20, $0x1F;
	p1 =	por !p1, p0;
	s0 =	sand.u32 @!p0 s0, s21  }
0x35: {  	p2 =	por !p2, p0;
	s1 =	simm.s32 @p1 $0x1;
	s0 =	sxor.u32 @!p0 $0xFFFFFFFF, s0  }
0x36: {  	s2 =	sand.u32 @!p0 s2, s20;
	s0 =	sadd.s32 @!p0 s0, s1;
	s1 =	smov.u32 s20  }
0x37: {  	p1 =	sgt.s32 @!p0 s0, $0x0;
	s1 =	simm.s32 @p2 $0x100;
	p2 =	sgt.s32 @!p0 s19, $0x4DA0  }
0x38: {  	s0 =	ssub.s32 @!p0 $0x1, s0;
	p1 =	por !p1, p0;
	p2 =	por !p2, p0  }
0x39: {  	s1 =	ssub.s32 @!p0 s1, s2;
	s2 =	sshra.s32 @!p0 s19, $0x1F;
	s3 =	simm.s32 @p2 $0x4DA0  }
0x3a: {  	s2 =	sand.u32 @!p0 s2, s19;
	s4 =	sadd.s32 @!p0 $0xFFFFFF00, s1;
	s0 =	simm.s32 @!p1 $0x0  }
0x3b: {  	s1 =	ssub.s32 @!p0 $0x180, s1;
	s2 =	ssub.s32 @!p0 s3, s2;
	p1 =	sgt.s32 @!p0 s4, $0x7F  }
0x3c: {  	s4 =	smov.u32 s14;
	s3 =	sadd.s32 @!p0 $0xFFFFB260, s2;
	p1 =	por !p1, p0  }
0x3d: {  	s2 =	ssub.s32 @!p0 $0x4E20, s2;
	p2 =	sgt.s32 @!p0 s3, $0x7F;
	s1 =	simm.s32 @!p1 $0x0  }
0x3e: {  	p1 =	por !p2, p0;
	s0 =	smul.u32 @!p0 s0, s1;
	s1 =	sadd.s32 $0x800, s15  }
0x3f: {  	s3 =	sadd.s32 $0x2, s14;
	s2 =	simm.s32 @!p1 $0x0;
	p1 =	sgt.s32 s1, $0x4E1F  }
0x40: {  	s0 =	smul.u32 @!p0 s2, s0;
	s4 =	smov.u32 @p1 s3  }
0x41: {  	s2 =	sadd.s32 $0x80, s17;
	s3 =	smov.u32 s17;
	p2 =	sgt.s32 s4, $0x1  }
0x42: {  	s21 =	smov.u32 s13;
	s3 =	smov.u32 @p2 s2  }
0x43: {  	s13 =	smov.u32 s14;
	s1 =	smov.u32 @p1 s8;
	p1 =	sgt.s32 s3, $0x143  }
0x44: {  	s20 =	smov.u32 s16;
	s3 =	simm.s32 @p1 $0x0;
	p1 =	sne.s32 s18, s11  }
.Ltmp1:
0x45: {  	s16 =	smov.u32 s17;
	s19 =	smov.u32 s12;
	(pc) =	sbr.rel @!p1 .LBB1_16-.Ltmp1, $4  }
0x46: {  	s12 =	smov.u32 s15;
	s0 =	sand.u32 @!p0 $0x3FFFFFFF, s0;
	s2 =	simm.s32 @!p0 $0x2  }
0x47: {  	s15 =	smov.u32 s1;
	s4 =	smov.u32 @p2 s7;
	_ =	swait.ge @!p0 [sflag:s2], s0  }
0x48: {  	s0 =	ssub.s32 @!p0 $0x0, s0;
	s14 =	smov.u32 s4;
	[sflag:s2] =	ssyncset.done @!p0 $0x0  }
0x49: {  	s18 =	sadd.s32 $0x1, s18;
	[sflag:s2] =	ssyncadd.s32 @!p0 s0;
	s17 =	smov.u32 s3  }
.LBB1_1:
0x4a: {  	p0 =	sge.u32 s18, s9;
	s0 =	smov.u32 s17  }
0x4b: {  	p1 =	sgt.s32 @!p0 s17, $0xC4;
	s1 =	sshra.s32 @!p0 s17, $0x1F;
	s2 =	sshrl.u32 @!p0 s14, $0x1  }
0x4c: {  	s3 =	sshll.u32 @!p0 s15, $0x1;
	s5 =	sshra.s32 @!p0 s15, $0x1F;
	p1 =	por !p1, p0  }
0x4d: {  	s1 =	sand.u32 @!p0 s1, s17;
	s2 =	smul.u32 @!p0 $0x9D00, s2;
	s0 =	simm.s32 @p1 $0xC4  }
0x4e: {  	s3 =	sand.u32 @!p0 $0xFFFFFF00, s3;
	s5 =	sand.u32 @!p0 s5, s15;
	s0 =	ssub.s32 @!p0 s0, s1  }
0x4f: {  	s2 =	sadd.s32 @!p0 s2, s3;
	s3 =	sshll.u32 @!p0 s14, $0x7;
	s4 =	sadd.s32 @!p0 $0xFFFFFF3C, s0  }
0x50: {  	s1 =	sand.u32 @!p0 $0x7F, s15;
	s3 =	sand.u32 @!p0 $0x80, s3;
	p1 =	sgt.s32 @!p0 s4, $0x7F  }
0x51: {  	s0 =	ssub.s32 @!p0 $0x144, s0;
	s4 =	sshra.s32 @!p0 s14, $0x1F;
	p1 =	por !p1, p0  }
0x52: {  	s2 =	sor.u32 @!p0 s3, s2;
	s0 =	simm.s32 @!p1 $0x0;
	p1 =	sgt.s32 @!p0 s14, $0x1  }
0x53: {  	s3 =	smov.u32 s14;
	s4 =	sand.u32 @!p0 s4, s14;
	p1 =	por !p1, p0  }
0x54: {  	s4 =	sxor.u32 @!p0 $0xFFFFFFFF, s4;
	s3 =	simm.s32 @p1 $0x1;
	p1 =	sgt.s32 @!p0 s15, $0x4E00  }
0x55: {  	s3 =	sadd.s32 @!p0 s4, s3;
	p1 =	por !p1, p0;
	s4 =	smov.u32 s15  }
0x56: {  	s1 =	sor.u32 @!p0 s1, s2;
	s4 =	simm.s32 @p1 $0x4E00;
	p1 =	sgt.s32 @!p0 s3, $0x0  }
0x57: {  	s2 =	smulhi.u32 @!p0 $0x342DA7F3, s2;
	s3 =	ssub.s32 @!p0 $0x1, s3;
	p1 =	por !p1, p0  }
0x58: {  	s6 =	smulhi.u32 @!p0 $0x342DA7F3, s1;
	s4 =	ssub.s32 @!p0 s4, s5;
	s3 =	simm.s32 @!p1 $0x0  }
0x59: {  	s2 =	sshrl.u32 @!p0 s2, $0xC;
	s0 =	smul.u32 @!p0 s3, s0;
	s3 =	sadd.s32 @!p0 $0xFFFFB200, s4  }
0x5a: {  	s5 =	sxor.u32 @!p0 $0xFFFFFFFF, s18;
	s4 =	ssub.s32 @!p0 $0x4E80, s4;
	p1 =	sgt.s32 @!p0 s3, $0x7F  }
0x5b: {  	s3 =	sshll.u32 @!p0 s5, $0xE;
	s5 =	sshrl.u32 @!p0 s6, $0xC;
	p1 =	por !p1, p0  }
0x5c: {  	s2 =	sand.u32 @!p0 $0x1, s2;
	s5 =	smul.u32 @!p0 $0x4E80, s5;
	s4 =	simm.s32 @!p1 $0x0  }
0x5d: {  	s31 =	sadd.s32 $0xFFFFFFFF, s18;
	p1 =	seq.s32 @!p0 s2, $0x1;
	s0 =	smul.u32 @!p0 s4, s0  }
0x5e: {  	s2 =	simm.s32 @!p0 $0x9D0;
	s4 =	smul.u32 @!p0 $0x13A0, s17;
	p1 =	por !p1, p0  }
0x5f: {  	s3 =	sand.u32 @!p0 $0x4000, s3;
	s1 =	ssub.s32 @!p0 s1, s5;
	s2 =	simm.s32 @p1 $0x0  }
0x60: {  	s5 =	sand.u32 @!p0 $0x7, s1;
	s1 =	sshrl.u32 @!p0 s1, $0x3;
	s4 =	sadd.s32 @!p0 s10, s4  }
0x61: {  	s0 =	sand.u32 @!p0 $0x3FFFFFFF, s0;
	s2 =	sadd.s32 @!p0 s2, s4;
	s4 =	sshll.u32 @!p0 s5, $0x12  }
0x62: {  	s1 =	sadd.s32 @!p0 s1, s2;
	s2 =	sor.u32 @!p0 $0x80, s4;
	s4 =	simm.s32 @!p0 $0x9D00  }
0x63: {  	[tilespmem:s3], [sflag:$0x1] =	stream.strided.gather @!p0 [hbm4b:s1+s2], s0, s4, s2, $0x38;
	[tilespmem:$0x10100] =	vst v63  }
0x64: {  	p0 =	sge.u32 s31, s9  }
.Ltmp2:
0x65: {  	_ = 	snop;
	(pc) =	sbr.rel @p0 .LBB1_15-.Ltmp2, $1  }
0x66: {  	_ =	sdelay $0x3  }
0x67: {  	[dreg:$0x10] =	wrdreg s21  }
0x68: {  	[dreg:$0xf] =	wrdreg s20  }
0x69: {  	[dreg:$0xe] =	wrdreg s19  }
0x6a: {  	[dreg:$0xc] =	wrdreg s17  }
0x6b: {  	[dreg:$0xa] =	wrdreg s15  }
0x6c: {  	s0 =	ssub.s32 $0x0, s16;
	s1 =	sshra.s32 s16, $0x1F;
	p0 =	sgt.s32 s16, $0xC4  }
0x6d: {  	s2 =	smov.u32 s16;
	s27 =	sshra.s32 s13, $0x1F;
	s3 =	smov.u32 s13  }
0x6e: {  	s28 =	ssub.s32 $0x0, s12;
	[dreg:$0x8] =	wrdreg s12;
	s4 =	sshra.s32 s12, $0x1F  }
0x6f: {  	s0 =	sand.u32 s0, s1;
	s2 =	simm.s32 @!p0 $0xC4;
	p0 =	sgt.s32 s13, $0x1  }
0x70: {  	s1 =	sand.u32 s27, s13;
	[dreg:$0x11] =	wrdreg s0;
	s0 =	sadd.s32 s0, s2  }
0x71: {  	s3 =	simm.s32 @!p0 $0x1;
	s1 =	sxor.u32 $0xFFFFFFFF, s1;
	s2 =	sadd.s32 $0xFFFFFF3C, s0  }
0x72: {  	p0 =	sgt.s32 s12, $0x4E00;
	p1 =	sgt.s32 s2, $0x7F;
	s2 =	smov.u32 s12  }
0x73: {  	s29 =	sand.u32 s28, s4;
	s1 =	sadd.s32 s1, s3;
	s2 =	simm.s32 @!p0 $0x4E00  }
0x74: {  	s5 =	ssub.s32 $0x1, s1;
	p0 =	sgt.s32 s1, $0x0;
	s1 =	sadd.s32 s29, s2  }
0x75: {  	[dreg:$0xb] =	wrdreg s16;
	s5 =	simm.s32 @p0 $0x0;
	s2 =	sadd.s32 $0xFFFFB200, s1  }
0x76: {  	s1 =	ssub.s32 $0x4E80, s1;
	p0 =	sgt.s32 s2, $0x7F;
	s2 =	sadd.s32 $0x80, s16  }
0x77: {  	s3 =	sadd.s32 $0x1, s13;
	s1 =	simm.s32 @p0 $0x0;
	p0 =	slt.s32 s2, $0x144  }
0x78: {  	s0 =	ssub.s32 $0x144, s0;
	s2 =	simm.s32 @!p0 $0x144;
	p0 =	slt.s32 s3, $0x2  }
0x79: {  	s0 =	simm.s32 @p1 $0x0;
	s24 =	ssub.s32 s2, s16;
	s3 =	simm.s32 @!p0 $0x2  }
0x7a: {  	s0 =	smul.u32 s5, s0;
	s25 =	ssub.s32 s3, s13;
	p0 =	slt.s32 s24, $0x1  }
0x7b: {  	[dreg:$0x9] =	wrdreg s13;
	p1 =	slt.s32 @!p0 s25, $0x1  }
0x7c: {  	[dreg:$0xd] =	wrdreg s18;
	s0 =	smul.u32 s1, s0;
	p1 =	por p0, p1  }
.Ltmp3:
0x7d: {  	s30 =	simm.s32 $0x1;
	[dreg:$0x13] =	wrdreg s29;
	(pc) =	sbr.rel @p1 .LBB1_14-.Ltmp3, $4  }
0x7e: {  	[dreg:$0x12] =	wrdreg s5;
	s1 =	sand.u32 $0x3FFFFFFF, s0;
	s0 =	sand.u32 $0x1, s18  }
0x7f: {  	_ =	swait.ge [sflag:s30], s1;
	s31 =	smul.u32 $0x4080, s0  }
0x80: {  	s1 =	ssub.s32 $0x0, s1;
	[sflag:s30] =	ssyncset.done $0x0  }
0x81: {  	[sflag:s30] =	ssyncadd.s32 s1;
	[dreg:$0x14] =	wrdreg s31  }
0x82: {  	s2 =	rddreg [dreg:$0x8]  }
0x83: {  	s1 =	sadd.s32 $0x80, s2  }
0x84: {  	p1 =	slt.s32 s1, $0x4E20  }
.Ltmp4:
0x85: {  	s1 =	simm.s32 @!p1 $0x4E20;
	(pc) =	sbr.rel .LBB1_4-.Ltmp4, $4  }
0x86: {  	s1 =	ssub.s32 s1, s2  }
0x87: {  	s28 =	sshll.u32 @!p0 s0, $0xE;
	s0 =	rddreg [dreg:$0x14];
	s1 =	sadd.s32 $0xF, s1  }
0x88: {  	s30 =	simm.s32 $0x0;
	s26 =	sand.u32 $0xFFFFFFF0, s1;
	s27 =	sand.u32 @!p0 $0xFFFFFF00, s1  }
0x89: {  	s29 =	sor.u32 @!p0 $0x8000, s0;
	p0 =	slt.s32 s1, $0x100;
	p1 =	sge.s32 s27, s26  }
.LBB1_13:
0x8a: {  	s30 =	sadd.s32 $0x1, s30  }
0x8b: {  	p2 =	sne.s32 s30, s24  }
.Ltmp5:
0x8c: {  	_ = 	snop;
	(pc) =	sbr.rel @!p2 .LBB1_14-.Ltmp5, $1  }
0x8d: {  	_ =	sdelay $0x3  }
.LBB1_4:
0x8e: {  	s31 =	sshrl.u32 s30, $0x4;
	s0 =	sshll.u32 s30, $0x3;
	s1 =	sshll.u32 s30, $0x9  }
0x8f: {  	s2 =	sand.u32 $0x78, s31;
	s3 =	sadd.s32 $0x800, s0;
	s5 =	sadd.s32 $0x1000, s0  }
0x90: {  	s6 =	sadd.s32 $0x1800, s0;
	s1 =	sshra.s32 s1, $0x2;
	s20 =	sadd.s32 $0x2800, s0  }
0x91: {  	s22 =	sadd.s32 $0x3000, s0;
	s0 =	sadd.s32 $0x3800, s0;
	s4 =	smul.u32 $0x204, s2  }
0x92: {  	s3 =	sshrl.u32 s3, $0x7;
	s5 =	sshrl.u32 s5, $0x7;
	s2 =	sxor.u32 $0x40, s2  }
0x93: {  	s6 =	sshrl.u32 s6, $0x7;
	s3 =	sand.u32 $0x78, s3;
	s10 =	smul.u32 $0x204, s2  }
0x94: {  	s21 =	sshrl.u32 s20, $0x7;
	s5 =	sand.u32 $0x78, s5;
	s3 =	smul.u32 $0x204, s3  }
0x95: {  	s0 =	sshrl.u32 s0, $0x7;
	s6 =	sand.u32 $0x78, s6;
	s5 =	smul.u32 $0x204, s5  }
0x96: {  	s20 =	simm.s32 $0x0;
	s2 =	sand.u32 $0x78, s21;
	s8 =	smul.u32 $0x204, s6  }
0x97: {  	s23 =	sand.u32 $0x78, s0;
	s0 =	sadd.s32 s1, s28;
	s11 =	smul.u32 $0x204, s2  }
.Ltmp6:
0x98: {  	s6 =	sshrl.u32 s22, $0x7;
	s2 =	sand.u32 $0x7F, s30;
	(pc) =	sbr.rel .LBB1_5-.Ltmp6, $4  }
0x99: {  	s13 =	smul.u32 $0x204, s23;
	s7 =	sshrl.u32 s4, $0x2;
	s6 =	sand.u32 $0x78, s6  }
0x9a: {  	s9 =	sadd.s32 s2, s29;
	s1 =	sshrl.u32 s10, $0x2;
	s12 =	smul.u32 $0x204, s6  }
0x9b: {  	s4 =	sshrl.u32 s3, $0x2;
	s6 =	sshrl.u32 s5, $0x2;
	s8 =	sshrl.u32 s8, $0x2  }
0x9c: {  	s3 =	sshrl.u32 s11, $0x2;
	s23 =	sshrl.u32 s13, $0x2;
	s5 =	sshrl.u32 s12, $0x2  }
.LBB1_12:
0x9d: {  	s20 =	sadd.s32 $0x1, s20  }
0x9e: {  	p2 =	sne.s32 s20, s25  }
.Ltmp7:
0x9f: {  	_ = 	snop;
	(pc) =	sbr.rel @!p2 .LBB1_13-.Ltmp7, $1  }
0xa0: {  	_ =	sdelay $0x3  }
.LBB1_5:
.Ltmp8:
0xa1: {  	(pc) =	sbr.rel @p0 .LBB1_9-.Ltmp8, $2  }
0xa2: {  	_ =	sdelay $0x2  }
0xa3: {  	s22 =	smul.u32 $0x10200, s20  }
0xa4: {  	s11 =	sshll.u32 s20, $0x7  }
0xa5: {  	s10 =	sshra.s32 s22, $0x2;
	s18 =	sand.u32 $0x80, s11  }
0xa6: {  	s12 =	sadd.s32 s10, s29;
	s21 =	sadd.s32 s18, s0  }
0xa7: {  	s19 =	sadd.s32 s7, s12;
	s13 =	sadd.s32 s4, s12;
	v0 =	vld [tilespmem:s21+$0x70]  }
0xa8: {  	s11 =	sadd.s32 s6, s12;
	s15 =	sadd.s32 s1, s12;
	s16 =	sadd.s32 s3, s12;
	v3 =	vld [tilespmem:s21+$0x60]  }
0xa9: {  	v1 =	vld [tilespmem:s21+$0x50];
	s17 =	sadd.s32 s2, s19;
	s18 =	sadd.s32 s2, s13;
	s13 =	sadd.s32 s8, s12  }
0xaa: {  	v2 =	vld [tilespmem:s21+$0x40];
	s19 =	sadd.s32 s2, s15;
	s15 =	sadd.s32 s5, s12;
	s12 =	sadd.s32 s23, s12  }
0xab: {  	v4 =	vld [tilespmem:s21+$0x30];
	s10 =	sadd.s32 s2, s11;
	s12 =	sadd.s32 s2, s12  }
0xac: {  	v5 =	vld [tilespmem:s21+$0x20];
	s11 =	sadd.s32 s2, s13;
	s13 =	sadd.s32 s2, s16;
	s16 =	sadd.s32 s2, s15;
	[tilespmem:s12+$0x0 ss:$0x81] =	vst.msk $0xffff, v0  }
0xad: {  	v6 =	vld [tilespmem:s21+$0x10];
	[tilespmem:s16+$0x0 ss:$0x81] =	vst.msk $0xffff, v3  }
0xae: {  	v7 =	vld [tilespmem:s21+$0x0];
	[tilespmem:s13+$0x0 ss:$0x81] =	vst.msk $0xffff, v1  }
0xaf: {  	[tilespmem:s19+$0x0 ss:$0x81] =	vst.msk $0xffff, v2  }
0xb0: {  	[tilespmem:s11+$0x0 ss:$0x81] =	vst.msk $0xffff, v4  }
0xb1: {  	p2 =	sgt.s32 s27, $0x100;
	[tilespmem:s10+$0x0 ss:$0x81] =	vst.msk $0xffff, v5  }
.Ltmp9:
0xb2: {  	[tilespmem:s18+$0x0 ss:$0x81] =	vst.msk $0xffff, v6;
	(pc) =	sbr.rel @!p2 .LBB1_8-.Ltmp9, $4  }
0xb3: {  	[tilespmem:s17+$0x0 ss:$0x81] =	vst.msk $0xffff, v7  }
0xb4: {  	[tilespmem:s17+$0x0 ss:$0x81] =	vst.msk $0xffff, v7  }
0xb5: {  	[tilespmem:s18+$0x0 ss:$0x81] =	vst.msk $0xffff, v6  }
0xb6: {  	s15 =	simm.s32 $0x100;
	[tilespmem:s10+$0x0 ss:$0x81] =	vst.msk $0xffff, v5  }
.LBB1_7:
0xb7: {  	v5 =	vld [tilespmem:s21+$0x70];
	[tilespmem:s11+$0x0 ss:$0x81] =	vst.msk $0xffff, v4  }
0xb8: {  	v6 =	vld [tilespmem:s21+$0x60];
	[tilespmem:s19+$0x0 ss:$0x81] =	vst.msk $0xffff, v2  }
0xb9: {  	[tilespmem:s13+$0x0 ss:$0x81] =	vst.msk $0xffff, v1;
	v1 =	vld [tilespmem:s21+$0x50]  }
0xba: {  	v2 =	vld [tilespmem:s21+$0x40];
	[tilespmem:s16+$0x0 ss:$0x81] =	vst.msk $0xffff, v3  }
0xbb: {  	v4 =	vld [tilespmem:s21+$0x30];
	[tilespmem:s12+$0x0 ss:$0x81] =	vst.msk $0xffff, v0  }
0xbc: {  	v7 =	vld [tilespmem:s21+$0x20];
	[tilespmem:s12+$0x0 ss:$0x81] =	vst.msk $0xffff, v5;
	v0 =	vmov v5  }
0xbd: {  	v5 =	vld [tilespmem:s21+$0x10];
	[tilespmem:s16+$0x0 ss:$0x81] =	vst.msk $0xffff, v6;
	v3 =	vmov v6  }
0xbe: {  	s15 =	sadd.s32 $0x100, s15;
	v6 =	vld [tilespmem:s21+$0x0];
	[tilespmem:s13+$0x0 ss:$0x81] =	vst.msk $0xffff, v1  }
0xbf: {  	p2 =	slt.s32 s15, s27;
	[tilespmem:s19+$0x0 ss:$0x81] =	vst.msk $0xffff, v2  }
0xc0: {  	[tilespmem:s11+$0x0 ss:$0x81] =	vst.msk $0xffff, v4  }
0xc1: {  	[tilespmem:s10+$0x0 ss:$0x81] =	vst.msk $0xffff, v7  }
.Ltmp10:
0xc2: {  	[tilespmem:s18+$0x0 ss:$0x81] =	vst.msk $0xffff, v5;
	(pc) =	sbr.rel @p2 .LBB1_7-.Ltmp10, $4  }
0xc3: {  	[tilespmem:s17+$0x0 ss:$0x81] =	vst.msk $0xffff, v6  }
0xc4: {  	[tilespmem:s17+$0x0 ss:$0x81] =	vst.msk $0xffff, v6  }
0xc5: {  	[tilespmem:s18+$0x0 ss:$0x81] =	vst.msk $0xffff, v5  }
0xc6: {  	[tilespmem:s10+$0x0 ss:$0x81] =	vst.msk $0xffff, v7  }
.LBB1_8:
0xc7: {  	[tilespmem:s11+$0x0 ss:$0x81] =	vst.msk $0xffff, v4  }
0xc8: {  	[tilespmem:s19+$0x0 ss:$0x81] =	vst.msk $0xffff, v2  }
0xc9: {  	[tilespmem:s13+$0x0 ss:$0x81] =	vst.msk $0xffff, v1  }
0xca: {  	[tilespmem:s16+$0x0 ss:$0x81] =	vst.msk $0xffff, v3  }
0xcb: {  	[tilespmem:s12+$0x0 ss:$0x81] =	vst.msk $0xffff, v0  }
.LBB1_9:
.Ltmp11:
0xcc: {  	(pc) =	sbr.rel @p1 .LBB1_12-.Ltmp11, $1  }
0xcd: {  	_ =	sdelay $0x3  }
0xce: {  	s10 =	sand.u32 $0x1, s20  }
0xcf: {  	s10 =	sadd.s32 s30, s10  }
0xd0: {  	s10 =	sshll.u32 s10, $0x9  }
0xd1: {  	s10 =	sshra.s32 s10, $0x2  }
0xd2: {  	s11 =	sadd.s32 s10, s28  }
0xd3: {  	v0 =	vmov s11  }
0xd4: {  	s22 =	sshra.s32 s22, $0x2  }
0xd5: {  	s10 =	sadd.s32 s22, s9;
	s11 =	smov.u32 s27  }
.LBB1_11:
0xd6: {  	s13 =	sadd.s32 s11, s31  }
0xd7: {  	s12 =	sand.u32 $0x70, s11;
	s11 =	sadd.s32 $0x10, s11;
	s22 =	sand.u32 $0x78, s13  }
0xd8: {  	v1 =	vld.idx.msk [tilespmem:v0+s12+$0x0 ss:$0x1], $0xffff;
	p2 =	slt.s32 s11, s26;
	s12 =	smul.u32 $0x204, s22  }
.Ltmp12:
0xd9: {  	_ = 	snop;
	(pc) =	sbr.rel @p2 .LBB1_11-.Ltmp12, $4  }
0xda: {  	_ = 	snop  }
0xdb: {  	s12 =	sshrl.u32 s12, $0x2  }
0xdc: {  	s12 =	sadd.s32 s12, s10  }
0xdd: {  	[tilespmem:s12+$0x0 ss:$0x81] =	vst.msk $0xffff, v1  }
.Ltmp13:
0xde: {  	_ = 	snop;
	(pc) =	sbr.rel .LBB1_12-.Ltmp13, $1  }
0xdf: {  	_ =	sdelay $0x3  }
.LBB1_16:
0xe0: {  	_ =	sfence.sel $0x180000  }
0xe1: {  	s0 =	simm.s32 $0x1;
	[bflag:$0x0] =	sbarrier.arrive $0xFFFF  }
0xe2: {  	s30 =	simm.s32 $0x2;
	[sflag:s0] =	ssyncpa.u1 $0x1  }
0xe3: {  	[sflag:s30] =	ssyncpa.u1 $0x1  }
0xe4: {  	_ =	strace $0x90000047  }
0xe5: {  	s31 =	stileid.u32;
	[bflag:$0x2] =	sbarrier.arrive $0xFFFF  }
0xe6: {  	p0 =	sne.s32 s31, $0x0;
	s0 =	rddreg [dreg:$0x1]  }
0xe7: {  	s0 =	sadd.s32 @!p0 $0x100000, s0  }
0xe8: {  	[sflag:s0] =	ssyncadd.tile.s32 @!p0 $0x1;
	_ =	shalt  }
.Lfunc_end1:
_tile_overlayer_lowered:
.L_overlay_start_2:
0xe9: {  	(tag) =	ssettag $0x2  }
0xea: {  	s0 =	rddreg [dreg:$0x0];
	s2 =	stileid.u32  }
0xeb: {  	s1 =	rddreg [dreg:$0x1];
	p0 =	sne.s32 s2, $0x0  }
0xec: {  	s3 =	rddreg [dreg:$0x2];
	[bflag:$0x3] =	sbarrier.arrive $0xFFFF;
	s2 =	simm.s32 @!p0 $0x1C01  }
0xed: {  	[timem:s3], [sflag:s2] =	dma.local @!p0 [hbm:s0], s1  }
0xee: {  	s0 =	simm.s32 @!p0 $0x1  }
0xef: {  	_ =	swait.ge @!p0 [sflag:s0], s1  }
0xf0: {  	s1 =	ssub.s32 @!p0 $0x0, s1;
	[sflag:s0] =	ssyncset.done @!p0 $0x0  }
0xf1: {  	[sflag:s0] =	ssyncadd.s32 @!p0 s1  }
0xf2: {  	[bflag:$0x3] =	sbarrier.arrive $0xFFFF  }
0xf3: {  	_ =	shalt  }

</sc_bundles>
